<compile_context>
chip_gen: v7x
topology: tpu7x:2x2x1
jax: 0.10.2.dev20260603
libtpu: 0.0.44.dev20260713+nightly
codegen_flags: <defaults>
</compile_context>

<pallas_src>
import functools
import jax
import jax.numpy as jnp
from jax import lax
from jax.experimental import pallas as pl
from jax.experimental.pallas import tpu as pltpu
from jax.experimental.pallas import tpu_sc as plsc

_NP = 10240
_NPH = 10368
_CS = 2560
_B = 64
_BSH = 6
_ETILE = 2048
_ED = 1024
_RING = 32
_EP = 163840

_MESH = plsc.VectorSubcoreMesh(core_axis_name="c", subcore_axis_name="s")
_SC_PARAMS = pltpu.CompilerParams(needs_layout_passes=False)


def _deg_body(dst_hbm, zeros_hbm, out_hbm, hist, dtile):
    core = lax.axis_index("c")
    sub = lax.axis_index("s")
    wid = core * 16 + sub
    e_sub = dst_hbm.shape[0] // 32
    n_tiles = e_sub // _ED
    ones16 = jnp.full((16,), 1.0, jnp.float32)
    ebase = wid * e_sub
    pltpu.sync_copy(zeros_hbm, hist)

    @pl.loop(0, n_tiles)
    def _(t):
        pltpu.sync_copy(dst_hbm.at[pl.ds(ebase + t * _ED, _ED)], dtile)

        @pl.loop(0, _ED // 16)
        def _(v):
            plsc.addupdate_scatter(hist, [dtile[pl.ds(v * 16, 16)]], ones16)

    pltpu.sync_copy(hist, out_hbm.at[wid])


def _deg(dst):
    zeros = jnp.zeros((_NPH,), jnp.float32)
    f = pl.kernel(
        _deg_body,
        out_type=jax.ShapeDtypeStruct((32, _NPH), jnp.float32),
        mesh=_MESH,
        scratch_types=[
            pltpu.VMEM((_NPH,), jnp.float32),
            pltpu.VMEM((_ED,), jnp.int32),
        ],
        compiler_params=_SC_PARAMS,
    )
    return f(dst, zeros)


def _agg_body(g_hbm, src_hbm, dst_hbm, out_hbm,
              acc, stile, dtile, srcb, dstb, rows):
    core = lax.axis_index("c")
    sub = lax.axis_index("s")
    e_sub = src_hbm.shape[0] // 16
    n_tiles = e_sub // _ETILE
    n_vecs = _ETILE // 16
    rstripe = _CS // 16
    iota16 = lax.iota(jnp.int32, 16)

    for p in range(_NP // _CS // 2):
        chunk = core + 2 * p
        base = chunk * _CS
        pltpu.sync_copy(g_hbm.at[pl.ds(base + sub * rstripe, rstripe)],
                        acc.at[pl.ds(sub * rstripe, rstripe)])
        plsc.subcore_barrier()

        ebase = sub * e_sub

        def batch_body(j, carry):
            jr = j & (_RING - 1)
            pltpu.sync_copy(g_hbm.at[srcb.at[jr]], rows)
            pltpu.sync_copy(rows, acc.at[dstb.at[jr]], add=True)
            return carry

        def tile_body(t, carry):
            cnt, jdone = carry
            pltpu.sync_copy(src_hbm.at[pl.ds(ebase + t * _ETILE, _ETILE)], stile)
            pltpu.sync_copy(dst_hbm.at[pl.ds(ebase + t * _ETILE, _ETILE)], dtile)

            def vec_body(v, cnt):
                s16 = stile[pl.ds(v * 16, 16)]
                d16 = dtile[pl.ds(v * 16, 16)]
                dloc = d16 - base
                m = (dloc >= 0) & (dloc < _CS)
                mi = m.astype(jnp.int32)
                pos = cnt + plsc.cumsum(mi) - 1
                plsc.store_scatter(
                    srcb, [(pos >> _BSH) & (_RING - 1), pos & (_B - 1)],
                    s16, mask=m)
                plsc.store_scatter(
                    dstb, [(pos >> _BSH) & (_RING - 1), pos & (_B - 1)],
                    dloc, mask=m)
                return cnt + jnp.sum(mi)

            cnt = lax.fori_loop(0, n_vecs, vec_body, cnt)
            jdone = lax.fori_loop(jdone, cnt >> _BSH, batch_body, jdone)
            return cnt, cnt >> _BSH

        cnt, jdone = lax.fori_loop(0, n_tiles, tile_body,
                                   (jnp.int32(0), jnp.int32(0)))

        for k in range(_B // 16):
            posk = cnt + k * 16 + iota16
            plsc.store_scatter(
                srcb, [(posk >> _BSH) & (_RING - 1), posk & (_B - 1)],
                jnp.zeros((16,), jnp.int32))
            plsc.store_scatter(
                dstb, [(posk >> _BSH) & (_RING - 1), posk & (_B - 1)],
                jnp.full((16,), _CS, jnp.int32))

        nb = (cnt + (_B - 1)) >> _BSH
        lax.fori_loop(jdone, nb, batch_body, jdone)
        plsc.subcore_barrier()
        pltpu.sync_copy(acc.at[pl.ds(sub * rstripe, rstripe)],
                        out_hbm.at[pl.ds(base + sub * rstripe, rstripe)])


def _agg(g, src, dst):
    f = pl.kernel(
        _agg_body,
        out_type=jax.ShapeDtypeStruct((_NP, 4, 128), jnp.float32),
        mesh=_MESH,
        scratch_types=[
            pltpu.VMEM_SHARED((_CS + 8, 4, 128), jnp.float32),
            pltpu.VMEM((_ETILE,), jnp.int32),
            pltpu.VMEM((_ETILE,), jnp.int32),
            pltpu.VMEM((_RING, _B), jnp.int32),
            pltpu.VMEM((_RING, _B), jnp.int32),
            pltpu.VMEM((_B, 4, 128), jnp.float32),
        ],
        compiler_params=_SC_PARAMS,
    )
    return f(g.reshape(_NP, 4, 128), src, dst).reshape(_NP, 512)


def _matmul_body(x_ref, w_ref, out_ref):
    out_ref[...] = jax.lax.dot_general(
        x_ref[...], w_ref[...], (((1,), (0,)), ((), ())),
        preferred_element_type=jnp.float32,
        precision=jax.lax.Precision.HIGHEST,
    )


def _matmul(x, W):
    n, d_in = x.shape
    d_out = W.shape[1]
    blk = 2048
    return pl.pallas_call(
        _matmul_body,
        grid=(n // blk,),
        in_specs=[
            pl.BlockSpec((blk, d_in), lambda i: (i, 0)),
            pl.BlockSpec((d_in, d_out), lambda i: (0, 0)),
        ],
        out_specs=pl.BlockSpec((blk, d_out), lambda i: (i, 0)),
        out_shape=jax.ShapeDtypeStruct((n, d_out), jnp.float32),
    )(x, W)


def _scale_body(h_ref, parts_ref, g_ref, dinv_ref):
    deg = jnp.sum(parts_ref[...], axis=0) + 1.0
    dinv = jax.lax.rsqrt(deg).reshape(-1, 1)
    dinv_ref[...] = dinv
    g_ref[...] = h_ref[...] * dinv


def _scale(h, parts):
    n, d = h.shape
    blk = 2048
    return pl.pallas_call(
        _scale_body,
        grid=(n // blk,),
        in_specs=[
            pl.BlockSpec((blk, d), lambda i: (i, 0)),
            pl.BlockSpec((32, blk), lambda i: (0, i)),
        ],
        out_specs=[
            pl.BlockSpec((blk, d), lambda i: (i, 0)),
            pl.BlockSpec((blk, 1), lambda i: (i, 0)),
        ],
        out_shape=[
            jax.ShapeDtypeStruct((n, d), jnp.float32),
            jax.ShapeDtypeStruct((n, 1), jnp.float32),
        ],
    )(h, parts)


def _bn_stats_body(acc_ref, dinv_ref, b_ref, stats_ref):
    i = pl.program_id(0)
    y = acc_ref[...] * dinv_ref[...] + b_ref[...].reshape(1, -1)
    s = jnp.sum(y, axis=0, keepdims=True)
    ss = jnp.sum(y * y, axis=0, keepdims=True)
    blk_stats = jnp.concatenate([s, ss], axis=0)

    @pl.when(i == 0)
    def _():
        stats_ref[...] = blk_stats

    @pl.when(i > 0)
    def _():
        stats_ref[...] += blk_stats


def _bn_apply_body(acc_ref, dinv_ref, b_ref, gamma_ref, beta_ref, stats_ref,
                   out_ref, *, n):
    y = acc_ref[...] * dinv_ref[...] + b_ref[...].reshape(1, -1)
    mean = stats_ref[0, :].reshape(1, -1) / n
    var = stats_ref[1, :].reshape(1, -1) / n - mean * mean
    z = (y - mean) * jax.lax.rsqrt(var + 1e-5)
    out_ref[...] = jnp.maximum(
        gamma_ref[...].reshape(1, -1) * z + beta_ref[...].reshape(1, -1), 0.0
    )


def _bn_relu(agg, dinv, b, gamma, beta, n):
    d = agg.shape[1]
    blk = 2000
    grid = (n // blk,)
    stats = pl.pallas_call(
        _bn_stats_body,
        grid=grid,
        in_specs=[
            pl.BlockSpec((blk, d), lambda i: (i, 0)),
            pl.BlockSpec((blk, 1), lambda i: (i, 0)),
            pl.BlockSpec((d,), lambda i: (0,)),
        ],
        out_specs=pl.BlockSpec((2, d), lambda i: (0, 0)),
        out_shape=jax.ShapeDtypeStruct((2, d), jnp.float32),
    )(agg, dinv, b)
    return pl.pallas_call(
        functools.partial(_bn_apply_body, n=float(n)),
        grid=grid,
        in_specs=[
            pl.BlockSpec((blk, d), lambda i: (i, 0)),
            pl.BlockSpec((blk, 1), lambda i: (i, 0)),
            pl.BlockSpec((d,), lambda i: (0,)),
            pl.BlockSpec((d,), lambda i: (0,)),
            pl.BlockSpec((d,), lambda i: (0,)),
            pl.BlockSpec((2, d), lambda i: (0, 0)),
        ],
        out_specs=pl.BlockSpec((blk, d), lambda i: (i, 0)),
        out_shape=jax.ShapeDtypeStruct((n, d), jnp.float32),
    )(agg, dinv, b, gamma, beta, stats)


@jax.jit
def kernel(x, edge_index, W, b, gamma, beta):
    n = x.shape[0]
    e = edge_index.shape[1]
    src = jnp.pad(edge_index[0], (0, _EP - e))
    dst = jnp.pad(edge_index[1], (0, _EP - e), constant_values=_NP)
    xp = jnp.pad(x, ((0, _NP - n), (0, 0)))
    parts = _deg(dst)
    h = _matmul(xp, W)
    g, dinv = _scale(h, parts)
    aggp = _agg(g, src, dst)
    return _bn_relu(aggp, dinv, b, gamma, beta, n)

# --- scband reference (transcript-rebuilt; emitter-appended) ---
"""Pipeline reference for scband-gcnlayer-27805618274575 (READ-ONLY COPY).

The authoritative reference and input builder live on the scoring server;
editing this copy changes nothing except your own understanding.
"""

import jax, jax.numpy as jnp
import numpy as np

N = 10000
E = 160000
D_IN = 512
D_OUT = 512


def setup_inputs(seed: int = 0) -> dict:
    key = jax.random.key(seed)
    k1, k2, k3 = jax.random.split(key, 3)
    x = jax.random.normal(k1, (N, D_IN), dtype=jnp.float32)
    edge_index = jax.random.randint(k2, (2, E), 0, N, dtype=jnp.int32)
    # GCNConv linear weight (Glorot-ish) and bias
    W = jax.random.normal(k3, (D_IN, D_OUT), dtype=jnp.float32) * (1.0 / np.sqrt(D_IN))
    b = jnp.zeros((D_OUT,), dtype=jnp.float32)
    # BatchNorm1d affine params
    gamma = jnp.ones((D_OUT,), dtype=jnp.float32)
    beta = jnp.zeros((D_OUT,), dtype=jnp.float32)
    return {"x": x, "edge_index": edge_index, "W": W, "b": b, "gamma": gamma, "beta": beta}


def reference(x, edge_index, W, b, gamma, beta):
    n = x.shape[0]
    src = edge_index[0]
    dst = edge_index[1]
    # add self-loops (PyG GCNConv default add_self_loops=True)
    loop = jnp.arange(n, dtype=edge_index.dtype)
    src = jnp.concatenate([src, loop])
    dst = jnp.concatenate([dst, loop])
    ew = jnp.ones((src.shape[0],), dtype=x.dtype)
    # symmetric normalization deg^{-1/2} A deg^{-1/2}
    deg = jax.ops.segment_sum(ew, dst, num_segments=n)
    dinv = jnp.where(deg > 0, jax.lax.rsqrt(deg), 0.0)
    norm = dinv[src] * ew * dinv[dst]
    # linear transform then propagate (gather + scatter-add)
    h = x @ W
    msg = h[src] * norm[:, None]
    out = jax.ops.segment_sum(msg, dst, num_segments=n) + b
    # BatchNorm1d (training-mode batch statistics, eps=1e-5)
    mean = jnp.mean(out, axis=0)
    var = jnp.mean((out - mean) ** 2, axis=0)
    out = gamma * (out - mean) * jax.lax.rsqrt(var + 1e-5) + beta
    # ReLU; dropout is identity in the deterministic reference (eval mode)
    out = jax.nn.relu(out)
    return out

if __name__ == "__main__":
    import jax
    _d = setup_inputs()
    print(jax.jit(kernel)(*tuple(_d.values())))

</pallas_src>

<mosaic_0001>
#map = affine_map<(d0, d1) -> (0)>
#map1 = affine_map<(d0, d1) -> (0, 0)>
module attributes {stable_mosaic.version = 14 : i64} {
  func.func @_deg_body(%arg0: i32, %arg1: i32, %arg2: memref<163840xi32, #tpu.memory_space<hbm>>, %arg3: memref<10368xf32, #tpu.memory_space<hbm>>, %arg4: memref<32x10368xf32, #tpu.memory_space<hbm>>, %arg5: memref<10368xf32, #tpu.memory_space<vmem>>, %arg6: memref<1024xi32, #tpu.memory_space<vmem>>) attributes {dimension_semantics = [#tpu.dimension_semantics<core_parallel>, #tpu.dimension_semantics<subcore_parallel>], iteration_bounds = array<i64: 2, 16>, scalar_prefetch = 0 : i64, scratch_operands = 2 : i64, tpu.core_type = #tpu.core_type<sc_vector_subcore>, window_params = [{transform_indices = #map}, {transform_indices = #map}, {transform_indices = #map1}]} {
    %mul3A = arith.constant 16 : i32
    %mul3A_0 = arith.muli %arg0, %mul3A : i32
    %add3A = arith.addi %mul3A_0, %arg1 : i32
    %broadcast_in_dim3A = arith.constant 1.000000e+00 : f32
    %broadcast_in_dim3A_1 = vector.broadcast %broadcast_in_dim3A : f32 to vector<16xf32>
    %mul3A_2 = arith.constant 5120 : i32
    %mul3A_3 = arith.muli %add3A, %mul3A_2 : i32
    "tpu.region"() ({
      %run_scoped3A = tpu.sem_alloc : memref<!tpu.dma_semaphore, #tpu.memory_space<semaphore_mem>>
      tpu.enqueue_dma source(%arg3 : memref<10368xf32, #tpu.memory_space<hbm>>) target(%arg5 : memref<10368xf32, #tpu.memory_space<vmem>>) target_semaphore(%run_scoped3A : memref<!tpu.dma_semaphore, #tpu.memory_space<semaphore_mem>>)
      tpu.wait_dma2 semaphore(%run_scoped3A : memref<!tpu.dma_semaphore, #tpu.memory_space<semaphore_mem>>) src(%arg3 : memref<10368xf32, #tpu.memory_space<hbm>>) dst(%arg5 : memref<10368xf32, #tpu.memory_space<vmem>>)
      tpu.yield
    }) : () -> ()
    %scan3A = arith.constant 0 : i32
    %scan3A_4 = arith.constant 5 : i32
    %scan3A_5 = arith.addi %scan3A, %scan3A_4 : i32
    %scan3A_6 = arith.constant 1 : i32
    scf.for %scan3A_8 = %scan3A to %scan3A_5 step %scan3A_6  : i32 {
      %mul3A_9 = arith.constant 1 : i32
      %mul3A_10 = arith.muli %scan3A_8, %mul3A_9 : i32
      %add3A_11 = arith.constant 0 : i32
      %add3A_12 = arith.addi %add3A_11, %mul3A_10 : i32
      %mul3A_13 = arith.constant 1024 : i32
      %mul3A_14 = arith.muli %add3A_12, %mul3A_13 : i32
      %add3A_15 = arith.addi %mul3A_3, %mul3A_14 : i32
      "tpu.region"() ({
        %run_scoped3A = tpu.sem_alloc : memref<!tpu.dma_semaphore, #tpu.memory_space<semaphore_mem>>
        %dma_start3A = tpu.memref_slice %arg2[%add3A_15] : memref<163840xi32, #tpu.memory_space<hbm>> -> memref<1024xi32, #tpu.memory_space<hbm>>
        %dma_start3A_21 = tpu.memref_slice %arg2[%add3A_15] : memref<163840xi32, #tpu.memory_space<hbm>> -> memref<1024xi32, #tpu.memory_space<hbm>>
        tpu.enqueue_dma source(%dma_start3A_21 : memref<1024xi32, #tpu.memory_space<hbm>>) target(%arg6 : memref<1024xi32, #tpu.memory_space<vmem>>) target_semaphore(%run_scoped3A : memref<!tpu.dma_semaphore, #tpu.memory_space<semaphore_mem>>)
        %dma_wait3A = tpu.memref_slice %arg2[%add3A_15] : memref<163840xi32, #tpu.memory_space<hbm>> -> memref<1024xi32, #tpu.memory_space<hbm>>
        %dma_wait3A_22 = tpu.memref_slice %arg2[%add3A_15] : memref<163840xi32, #tpu.memory_space<hbm>> -> memref<1024xi32, #tpu.memory_space<hbm>>
        tpu.wait_dma2 semaphore(%run_scoped3A : memref<!tpu.dma_semaphore, #tpu.memory_space<semaphore_mem>>) src(%dma_wait3A_22 : memref<1024xi32, #tpu.memory_space<hbm>>) dst(%arg6 : memref<1024xi32, #tpu.memory_space<vmem>>)
        tpu.yield
      }) : () -> ()
      %scan3A_16 = arith.constant 0 : i32
      %scan3A_17 = arith.constant 64 : i32
      %scan3A_18 = arith.addi %scan3A_16, %scan3A_17 : i32
      %scan3A_19 = arith.constant 1 : i32
      scf.for %scan3A_21 = %scan3A_16 to %scan3A_18 step %scan3A_19  : i32 {
        %mul3A_22 = arith.constant 1 : i32
        %mul3A_23 = arith.muli %scan3A_21, %mul3A_22 : i32
        %add3A_24 = arith.constant 0 : i32
        %add3A_25 = arith.addi %add3A_24, %mul3A_23 : i32
        %mul3A_26 = arith.constant 16 : i32
        %mul3A_27 = arith.muli %add3A_25, %mul3A_26 : i32
        %get3A = arith.index_cast %mul3A_27 : i32 to index
        %get3A_28 = tpu.vector_load %arg6[%get3A] {strides = array<i32>} : memref<1024xi32, #tpu.memory_space<vmem>>, vector<16xi32>,
        tpu.vector_store_idx %arg5[%get3A_28], %broadcast_in_dim3A_1 {add = true} : memref<10368xf32, #tpu.memory_space<vmem>>[vector<16xi32>], vector<16xf32>,
      }
      %scan3A_20 = arith.constant 64 : i32
    }
    %scan3A_7 = arith.constant 5 : i32
    "tpu.region"() ({
      %run_scoped3A = tpu.sem_alloc : memref<!tpu.dma_semaphore, #tpu.memory_space<semaphore_mem>>
      %dma_start3A = arith.constant 0 : i32
      %dma_start3A_8 = tpu.memref_slice %arg4[%add3A, %dma_start3A] : memref<32x10368xf32, #tpu.memory_space<hbm>> -> memref<1x10368xf32, #tpu.memory_space<hbm>>
      %dma_start3A_9 = tpu.memref_squeeze %dma_start3A_8 : memref<1x10368xf32, #tpu.memory_space<hbm>> -> memref<10368xf32, #tpu.memory_space<hbm>>
      %dma_start3A_10 = arith.constant 0 : i32
      %dma_start3A_11 = tpu.memref_slice %arg4[%add3A, %dma_start3A_10] : memref<32x10368xf32, #tpu.memory_space<hbm>> -> memref<1x10368xf32, #tpu.memory_space<hbm>>
      %dma_start3A_12 = tpu.memref_squeeze %dma_start3A_11 : memref<1x10368xf32, #tpu.memory_space<hbm>> -> memref<10368xf32, #tpu.memory_space<hbm>>
      tpu.enqueue_dma source(%arg5 : memref<10368xf32, #tpu.memory_space<vmem>>) target(%dma_start3A_12 : memref<10368xf32, #tpu.memory_space<hbm>>) target_semaphore(%run_scoped3A : memref<!tpu.dma_semaphore, #tpu.memory_space<semaphore_mem>>)
      %dma_wait3A = arith.constant 0 : i32
      %dma_wait3A_13 = tpu.memref_slice %arg4[%add3A, %dma_wait3A] : memref<32x10368xf32, #tpu.memory_space<hbm>> -> memref<1x10368xf32, #tpu.memory_space<hbm>>
      %dma_wait3A_14 = tpu.memref_squeeze %dma_wait3A_13 : memref<1x10368xf32, #tpu.memory_space<hbm>> -> memref<10368xf32, #tpu.memory_space<hbm>>
      %dma_wait3A_15 = arith.constant 0 : i32
      %dma_wait3A_16 = tpu.memref_slice %arg4[%add3A, %dma_wait3A_15] : memref<32x10368xf32, #tpu.memory_space<hbm>> -> memref<1x10368xf32, #tpu.memory_space<hbm>>
      %dma_wait3A_17 = tpu.memref_squeeze %dma_wait3A_16 : memref<1x10368xf32, #tpu.memory_space<hbm>> -> memref<10368xf32, #tpu.memory_space<hbm>>
      tpu.wait_dma2 semaphore(%run_scoped3A : memref<!tpu.dma_semaphore, #tpu.memory_space<semaphore_mem>>) src(%arg5 : memref<10368xf32, #tpu.memory_space<vmem>>) dst(%dma_wait3A_17 : memref<10368xf32, #tpu.memory_space<hbm>>)
      tpu.yield
    }) : () -> ()
    return
  }
}

#map = affine_map<(d0, d1) -> (0, 0, 0)>
#map1 = affine_map<(d0, d1) -> (0)>
module attributes {stable_mosaic.version = 14 : i64} {
  func.func @_agg_body(%arg0: i32, %arg1: i32, %arg2: memref<10240x4x128xf32, #tpu.memory_space<hbm>>, %arg3: memref<163840xi32, #tpu.memory_space<hbm>>, %arg4: memref<163840xi32, #tpu.memory_space<hbm>>, %arg5: memref<10240x4x128xf32, #tpu.memory_space<hbm>>, %arg6: memref<2568x4x128xf32, #tpu.memory_space<vmem_shared>>, %arg7: memref<2048xi32, #tpu.memory_space<vmem>>, %arg8: memref<2048xi32, #tpu.memory_space<vmem>>, %arg9: memref<32x64xi32, #tpu.memory_space<vmem>>, %arg10: memref<32x64xi32, #tpu.memory_space<vmem>>, %arg11: memref<64x4x128xf32, #tpu.memory_space<vmem>>) attributes {dimension_semantics = [#tpu.dimension_semantics<core_parallel>, #tpu.dimension_semantics<subcore_parallel>], iteration_bounds = array<i64: 2, 16>, scalar_prefetch = 0 : i64, scratch_operands = 6 : i64, tpu.core_type = #tpu.core_type<sc_vector_subcore>, window_params = [{transform_indices = #map}, {transform_indices = #map1}, {transform_indices = #map1}, {transform_indices = #map}]} {
    %iota3A = tpu.iota {dimensions = array<i32: 0>} : vector<16xi32>
    %add3A = arith.constant 0 : i32
    %add3A_0 = arith.addi %arg0, %add3A : i32
    %mul3A = arith.constant 2560 : i32
    %mul3A_1 = arith.muli %add3A_0, %mul3A : i32
    %mul3A_2 = arith.constant 160 : i32
    %mul3A_3 = arith.muli %arg1, %mul3A_2 : i32
    %add3A_4 = arith.addi %mul3A_1, %mul3A_3 : i32
    %mul3A_5 = arith.constant 160 : i32
    %mul3A_6 = arith.muli %arg1, %mul3A_5 : i32
    "tpu.region"() ({
      %run_scoped3A = tpu.sem_alloc : memref<!tpu.dma_semaphore, #tpu.memory_space<semaphore_mem>>
      %dma_start3A = arith.constant 0 : i32
      %dma_start3A_276 = arith.constant 0 : i32
      %dma_start3A_277 = tpu.memref_slice %arg6[%mul3A_6, %dma_start3A, %dma_start3A_276] : memref<2568x4x128xf32, #tpu.memory_space<vmem_shared>> -> memref<160x4x128xf32, #tpu.memory_space<vmem_shared>>
      %dma_start3A_278 = arith.constant 0 : i32
      %dma_start3A_279 = arith.constant 0 : i32
      %dma_start3A_280 = tpu.memref_slice %arg2[%add3A_4, %dma_start3A_278, %dma_start3A_279] : memref<10240x4x128xf32, #tpu.memory_space<hbm>> -> memref<160x4x128xf32, #tpu.memory_space<hbm>>
      tpu.enqueue_dma source(%dma_start3A_280 : memref<160x4x128xf32, #tpu.memory_space<hbm>>) target(%dma_start3A_277 : memref<160x4x128xf32, #tpu.memory_space<vmem_shared>>) target_semaphore(%run_scoped3A : memref<!tpu.dma_semaphore, #tpu.memory_space<semaphore_mem>>)
      %dma_wait3A = arith.constant 0 : i32
      %dma_wait3A_281 = arith.constant 0 : i32
      %dma_wait3A_282 = tpu.memref_slice %arg6[%mul3A_6, %dma_wait3A, %dma_wait3A_281] : memref<2568x4x128xf32, #tpu.memory_space<vmem_shared>> -> memref<160x4x128xf32, #tpu.memory_space<vmem_shared>>
      %dma_wait3A_283 = arith.constant 0 : i32
      %dma_wait3A_284 = arith.constant 0 : i32
      %dma_wait3A_285 = tpu.memref_slice %arg2[%add3A_4, %dma_wait3A_283, %dma_wait3A_284] : memref<10240x4x128xf32, #tpu.memory_space<hbm>> -> memref<160x4x128xf32, #tpu.memory_space<hbm>>
      tpu.wait_dma2 semaphore(%run_scoped3A : memref<!tpu.dma_semaphore, #tpu.memory_space<semaphore_mem>>) src(%dma_wait3A_285 : memref<160x4x128xf32, #tpu.memory_space<hbm>>) dst(%dma_wait3A_282 : memref<160x4x128xf32, #tpu.memory_space<vmem_shared>>)
      tpu.yield
    }) : () -> ()
    %barrier3A = arith.constant 0 : index
    tpu.barrier barrier_id(%barrier3A)
    %mul3A_7 = arith.constant 10240 : i32
    %mul3A_8 = arith.muli %arg1, %mul3A_7 : i32
    %scan3A = arith.constant 0 : i32
    %scan3A_9 = arith.constant 0 : i32
    %scan3A_10 = arith.constant 0 : i32
    %scan3A_11 = arith.constant 5 : i32
    %scan3A_12 = arith.addi %scan3A_10, %scan3A_11 : i32
    %scan3A_13 = arith.constant 1 : i32
    %scan3A_14:2 = scf.for %scan3A_276 = %scan3A_10 to %scan3A_12 step %scan3A_13 iter_args(%scan3A_277 = %scan3A, %scan3A_278 = %scan3A_9) -> (i32, i32)  : i32 {
      %mul3A_279 = arith.constant 2048 : i32
      %mul3A_280 = arith.muli %scan3A_276, %mul3A_279 : i32
      %add3A_281 = arith.addi %mul3A_8, %mul3A_280 : i32
      "tpu.region"() ({
        %run_scoped3A = tpu.sem_alloc : memref<!tpu.dma_semaphore, #tpu.memory_space<semaphore_mem>>
        %dma_start3A = tpu.memref_slice %arg3[%add3A_281] : memref<163840xi32, #tpu.memory_space<hbm>> -> memref<2048xi32, #tpu.memory_space<hbm>>
        %dma_start3A_303 = tpu.memref_slice %arg3[%add3A_281] : memref<163840xi32, #tpu.memory_space<hbm>> -> memref<2048xi32, #tpu.memory_space<hbm>>
        tpu.enqueue_dma source(%dma_start3A_303 : memref<2048xi32, #tpu.memory_space<hbm>>) target(%arg7 : memref<2048xi32, #tpu.memory_space<vmem>>) target_semaphore(%run_scoped3A : memref<!tpu.dma_semaphore, #tpu.memory_space<semaphore_mem>>)
        %dma_wait3A = tpu.memref_slice %arg3[%add3A_281] : memref<163840xi32, #tpu.memory_space<hbm>> -> memref<2048xi32, #tpu.memory_space<hbm>>
        %dma_wait3A_304 = tpu.memref_slice %arg3[%add3A_281] : memref<163840xi32, #tpu.memory_space<hbm>> -> memref<2048xi32, #tpu.memory_space<hbm>>
        tpu.wait_dma2 semaphore(%run_scoped3A : memref<!tpu.dma_semaphore, #tpu.memory_space<semaphore_mem>>) src(%dma_wait3A_304 : memref<2048xi32, #tpu.memory_space<hbm>>) dst(%arg7 : memref<2048xi32, #tpu.memory_space<vmem>>)
        tpu.yield
      }) : () -> ()
      %mul3A_282 = arith.constant 2048 : i32
      %mul3A_283 = arith.muli %scan3A_276, %mul3A_282 : i32
      %add3A_284 = arith.addi %mul3A_8, %mul3A_283 : i32
      "tpu.region"() ({
        %run_scoped3A = tpu.sem_alloc : memref<!tpu.dma_semaphore, #tpu.memory_space<semaphore_mem>>
        %dma_start3A = tpu.memref_slice %arg4[%add3A_284] : memref<163840xi32, #tpu.memory_space<hbm>> -> memref<2048xi32, #tpu.memory_space<hbm>>
        %dma_start3A_303 = tpu.memref_slice %arg4[%add3A_284] : memref<163840xi32, #tpu.memory_space<hbm>> -> memref<2048xi32, #tpu.memory_space<hbm>>
        tpu.enqueue_dma source(%dma_start3A_303 : memref<2048xi32, #tpu.memory_space<hbm>>) target(%arg8 : memref<2048xi32, #tpu.memory_space<vmem>>) target_semaphore(%run_scoped3A : memref<!tpu.dma_semaphore, #tpu.memory_space<semaphore_mem>>)
        %dma_wait3A = tpu.memref_slice %arg4[%add3A_284] : memref<163840xi32, #tpu.memory_space<hbm>> -> memref<2048xi32, #tpu.memory_space<hbm>>
        %dma_wait3A_304 = tpu.memref_slice %arg4[%add3A_284] : memref<163840xi32, #tpu.memory_space<hbm>> -> memref<2048xi32, #tpu.memory_space<hbm>>
        tpu.wait_dma2 semaphore(%run_scoped3A : memref<!tpu.dma_semaphore, #tpu.memory_space<semaphore_mem>>) src(%dma_wait3A_304 : memref<2048xi32, #tpu.memory_space<hbm>>) dst(%arg8 : memref<2048xi32, #tpu.memory_space<vmem>>)
        tpu.yield
      }) : () -> ()
      %scan3A_285 = arith.constant 0 : i32
      %scan3A_286 = arith.constant 128 : i32
      %scan3A_287 = arith.addi %scan3A_285, %scan3A_286 : i32
      %scan3A_288 = arith.constant 1 : i32
      %scan3A_289 = scf.for %scan3A_303 = %scan3A_285 to %scan3A_287 step %scan3A_288 iter_args(%scan3A_304 = %scan3A_277) -> (i32)  : i32 {
        %mul3A_305 = arith.constant 16 : i32
        %mul3A_306 = arith.muli %scan3A_303, %mul3A_305 : i32
        %get3A = arith.index_cast %mul3A_306 : i32 to index
        %get3A_307 = tpu.vector_load %arg7[%get3A] {strides = array<i32>} : memref<2048xi32, #tpu.memory_space<vmem>>, vector<16xi32>,
        %mul3A_308 = arith.constant 16 : i32
        %mul3A_309 = arith.muli %scan3A_303, %mul3A_308 : i32
        %get3A_310 = arith.index_cast %mul3A_309 : i32 to index
        %get3A_311 = tpu.vector_load %arg8[%get3A_310] {strides = array<i32>} : memref<2048xi32, #tpu.memory_space<vmem>>, vector<16xi32>,
        %sub3A = vector.broadcast %mul3A_1 : i32 to vector<16xi32>
        %sub3A_312 = arith.subi %get3A_311, %sub3A : vector<16xi32>
        %ge3A = arith.constant 0 : i32
        %ge3A_313 = vector.broadcast %ge3A : i32 to vector<16xi32>
        %ge3A_314 = arith.cmpi sge, %sub3A_312, %ge3A_313 : vector<16xi32>
        %lt3A = arith.constant 2560 : i32
        %lt3A_315 = vector.broadcast %lt3A : i32 to vector<16xi32>
        %lt3A_316 = arith.cmpi slt, %sub3A_312, %lt3A_315 : vector<16xi32>
        %and3A_317 = arith.andi %ge3A_314, %lt3A_316 : vector<16xi1>
        %convert_element_type3A = arith.extui %and3A_317 : vector<16xi1> to vector<16xi32>
        %broadcast_in_dim3A_318 = arith.constant true
        %broadcast_in_dim3A_319 = vector.broadcast %broadcast_in_dim3A_318 : i1 to vector<16xi1>
        %masked_cumsum3A = tpu.scan <sum>, %convert_element_type3A masked %broadcast_in_dim3A_319 : vector<16xi32>, vector<16xi1> -> vector<16xi32>
        %add3A_320 = vector.broadcast %scan3A_304 : i32 to vector<16xi32>
        %add3A_321 = arith.addi %add3A_320, %masked_cumsum3A : vector<16xi32>
        %sub3A_322 = arith.constant 1 : i32
        %sub3A_323 = vector.broadcast %sub3A_322 : i32 to vector<16xi32>
        %sub3A_324 = arith.subi %add3A_321, %sub3A_323 : vector<16xi32>
        %shift_right_arithmetic3A_325 = arith.constant 6 : i32
        %shift_right_arithmetic3A_326 = vector.broadcast %shift_right_arithmetic3A_325 : i32 to vector<16xi32>
        %shift_right_arithmetic3A_327 = arith.shrsi %sub3A_324, %shift_right_arithmetic3A_326 : vector<16xi32>
        %and3A_328 = arith.constant 31 : i32
        %and3A_329 = vector.broadcast %and3A_328 : i32 to vector<16xi32>
        %and3A_330 = arith.andi %shift_right_arithmetic3A_327, %and3A_329 : vector<16xi32>
        %and3A_331 = arith.constant 63 : i32
        %and3A_332 = vector.broadcast %and3A_331 : i32 to vector<16xi32>
        %and3A_333 = arith.andi %sub3A_324, %and3A_332 : vector<16xi32>
        tpu.vector_store_idx %arg9[%and3A_330, %and3A_333], %get3A_307 masked %and3A_317 : memref<32x64xi32, #tpu.memory_space<vmem>>[vector<16xi32>, vector<16xi32>], vector<16xi32>, vector<16xi1>
        %shift_right_arithmetic3A_334 = arith.constant 6 : i32
        %shift_right_arithmetic3A_335 = vector.broadcast %shift_right_arithmetic3A_334 : i32 to vector<16xi32>
        %shift_right_arithmetic3A_336 = arith.shrsi %sub3A_324, %shift_right_arithmetic3A_335 : vector<16xi32>
        %and3A_337 = arith.constant 31 : i32
        %and3A_338 = vector.broadcast %and3A_337 : i32 to vector<16xi32>
        %and3A_339 = arith.andi %shift_right_arithmetic3A_336, %and3A_338 : vector<16xi32>
        %and3A_340 = arith.constant 63 : i32
        %and3A_341 = vector.broadcast %and3A_340 : i32 to vector<16xi32>
        %and3A_342 = arith.andi %sub3A_324, %and3A_341 : vector<16xi32>
        tpu.vector_store_idx %arg10[%and3A_339, %and3A_342], %sub3A_312 masked %and3A_317 : memref<32x64xi32, #tpu.memory_space<vmem>>[vector<16xi32>, vector<16xi32>], vector<16xi32>, vector<16xi1>
        %reduce_sum3A = arith.constant true
        %reduce_sum3A_343 = vector.broadcast %reduce_sum3A : i1 to vector<16xi1>
        %reduce_sum3A_344 = tpu.scan <sum>, %convert_element_type3A masked %reduce_sum3A_343 : vector<16xi32>, vector<16xi1> -> vector<16xi32>
        %reduce_sum3A_345 = vector.extract %reduce_sum3A_344[15] : i32 from vector<16xi32>
        %add3A_346 = arith.addi %scan3A_304, %reduce_sum3A_345 : i32
        scf.yield %add3A_346 : i32
      }
      %scan3A_290 = arith.constant 128 : i32
      %shift_right_arithmetic3A_291 = arith.constant 6 : i32
      %shift_right_arithmetic3A_292 = arith.shrsi %scan3A_289, %shift_right_arithmetic3A_291 : i32
      %while3A_293 = arith.subi %shift_right_arithmetic3A_292, %scan3A_278 : i32
      %while3A_294 = arith.addi %scan3A_278, %while3A_293 : i32
      %while3A_295 = arith.constant 1 : i32
      %while3A_296 = arith.divsi %while3A_293, %while3A_295 : i32
      %while3A_297 = arith.muli %while3A_296, %while3A_295 : i32
      %while3A_298 = arith.addi %scan3A_278, %while3A_297 : i32
      %while3A_299 = arith.constant 1 : i32
      scf.for %while3A_303 = %scan3A_278 to %while3A_298 step %while3A_299  : i32 {
        %and3A_304 = arith.constant 31 : i32
        %and3A_305 = arith.andi %while3A_303, %and3A_304 : i32
        "tpu.region"() ({
          %run_scoped3A = tpu.sem_alloc : memref<!tpu.dma_semaphore, #tpu.memory_space<semaphore_mem>>
          %dma_start3A = arith.constant 0 : i32
          %dma_start3A_306 = tpu.memref_slice %arg9[%and3A_305, %dma_start3A] : memref<32x64xi32, #tpu.memory_space<vmem>> -> memref<1x64xi32, #tpu.memory_space<vmem>>
          %dma_start3A_307 = tpu.memref_squeeze %dma_start3A_306 : memref<1x64xi32, #tpu.memory_space<vmem>> -> memref<64xi32, #tpu.memory_space<vmem>>
          %dma_start3A_308 = arith.constant 0 : i32
          %dma_start3A_309 = arith.constant 0 : i32
          %dma_start3A_310 = arith.constant 0 : i32
          %dma_start3A_311 = tpu.memref_slice %arg2[%dma_start3A_308, %dma_start3A_309, %dma_start3A_310] : memref<10240x4x128xf32, #tpu.memory_space<hbm>> -> memref<10240x4x128xf32, #tpu.memory_space<hbm>>
          tpu.enqueue_indirect_dma source(%dma_start3A_311 : memref<10240x4x128xf32, #tpu.memory_space<hbm>>) target(%arg11 : memref<64x4x128xf32, #tpu.memory_space<vmem>>) offsets(%dma_start3A_307 : memref<64xi32, #tpu.memory_space<vmem>>) semaphore(%run_scoped3A : memref<!tpu.dma_semaphore, #tpu.memory_space<semaphore_mem>>)
          %dma_wait3A = arith.constant 0 : i32
          %dma_wait3A_312 = tpu.memref_slice %arg9[%and3A_305, %dma_wait3A] : memref<32x64xi32, #tpu.memory_space<vmem>> -> memref<1x64xi32, #tpu.memory_space<vmem>>
          %dma_wait3A_313 = tpu.memref_squeeze %dma_wait3A_312 : memref<1x64xi32, #tpu.memory_space<vmem>> -> memref<64xi32, #tpu.memory_space<vmem>>
          %dma_wait3A_314 = arith.constant 0 : i32
          %dma_wait3A_315 = arith.constant 0 : i32
          %dma_wait3A_316 = arith.constant 0 : i32
          %dma_wait3A_317 = tpu.memref_slice %arg2[%dma_wait3A_314, %dma_wait3A_315, %dma_wait3A_316] : memref<10240x4x128xf32, #tpu.memory_space<hbm>> -> memref<10240x4x128xf32, #tpu.memory_space<hbm>>
          tpu.wait_indirect_dma semaphore(%run_scoped3A : memref<!tpu.dma_semaphore, #tpu.memory_space<semaphore_mem>>) src(%dma_wait3A_317 : memref<10240x4x128xf32, #tpu.memory_space<hbm>>) dst(%arg11 : memref<64x4x128xf32, #tpu.memory_space<vmem>>)
          tpu.yield
        }) : () -> ()
        "tpu.region"() ({
          %run_scoped3A = tpu.sem_alloc : memref<!tpu.dma_semaphore, #tpu.memory_space<semaphore_mem>>
          %dma_start3A = arith.constant 0 : i32
          %dma_start3A_306 = tpu.memref_slice %arg10[%and3A_305, %dma_start3A] : memref<32x64xi32, #tpu.memory_space<vmem>> -> memref<1x64xi32, #tpu.memory_space<vmem>>
          %dma_start3A_307 = tpu.memref_squeeze %dma_start3A_306 : memref<1x64xi32, #tpu.memory_space<vmem>> -> memref<64xi32, #tpu.memory_space<vmem>>
          %dma_start3A_308 = arith.constant 0 : i32
          %dma_start3A_309 = arith.constant 0 : i32
          %dma_start3A_310 = arith.constant 0 : i32
          %dma_start3A_311 = tpu.memref_slice %arg6[%dma_start3A_308, %dma_start3A_309, %dma_start3A_310] : memref<2568x4x128xf32, #tpu.memory_space<vmem_shared>> -> memref<2568x4x128xf32, #tpu.memory_space<vmem_shared>>
          tpu.enqueue_indirect_dma source(%arg11 : memref<64x4x128xf32, #tpu.memory_space<vmem>>) target(%dma_start3A_311 : memref<2568x4x128xf32, #tpu.memory_space<vmem_shared>>) offsets(%dma_start3A_307 : memref<64xi32, #tpu.memory_space<vmem>>) semaphore(%run_scoped3A : memref<!tpu.dma_semaphore, #tpu.memory_space<semaphore_mem>>) {add = true}
          %dma_wait3A = arith.constant 0 : i32
          %dma_wait3A_312 = tpu.memref_slice %arg10[%and3A_305, %dma_wait3A] : memref<32x64xi32, #tpu.memory_space<vmem>> -> memref<1x64xi32, #tpu.memory_space<vmem>>
          %dma_wait3A_313 = tpu.memref_squeeze %dma_wait3A_312 : memref<1x64xi32, #tpu.memory_space<vmem>> -> memref<64xi32, #tpu.memory_space<vmem>>
          %dma_wait3A_314 = arith.constant 0 : i32
          %dma_wait3A_315 = arith.constant 0 : i32
          %dma_wait3A_316 = arith.constant 0 : i32
          %dma_wait3A_317 = tpu.memref_slice %arg6[%dma_wait3A_314, %dma_wait3A_315, %dma_wait3A_316] : memref<2568x4x128xf32, #tpu.memory_space<vmem_shared>> -> memref<2568x4x128xf32, #tpu.memory_space<vmem_shared>>
          tpu.wait_indirect_dma semaphore(%run_scoped3A : memref<!tpu.dma_semaphore, #tpu.memory_space<semaphore_mem>>) src(%arg11 : memref<64x4x128xf32, #tpu.memory_space<vmem>>) dst(%dma_wait3A_317 : memref<2568x4x128xf32, #tpu.memory_space<vmem_shared>>)
          tpu.yield
        }) : () -> ()
      }
      %while3A_300 = arith.constant 1 : i32
      scf.for %while3A_303 = %while3A_298 to %while3A_294 step %while3A_300  : i32 {
        %and3A_304 = arith.constant 31 : i32
        %and3A_305 = arith.andi %while3A_303, %and3A_304 : i32
        "tpu.region"() ({
          %run_scoped3A = tpu.sem_alloc : memref<!tpu.dma_semaphore, #tpu.memory_space<semaphore_mem>>
          %dma_start3A = arith.constant 0 : i32
          %dma_start3A_306 = tpu.memref_slice %arg9[%and3A_305, %dma_start3A] : memref<32x64xi32, #tpu.memory_space<vmem>> -> memref<1x64xi32, #tpu.memory_space<vmem>>
          %dma_start3A_307 = tpu.memref_squeeze %dma_start3A_306 : memref<1x64xi32, #tpu.memory_space<vmem>> -> memref<64xi32, #tpu.memory_space<vmem>>
          %dma_start3A_308 = arith.constant 0 : i32
          %dma_start3A_309 = arith.constant 0 : i32
          %dma_start3A_310 = arith.constant 0 : i32
          %dma_start3A_311 = tpu.memref_slice %arg2[%dma_start3A_308, %dma_start3A_309, %dma_start3A_310] : memref<10240x4x128xf32, #tpu.memory_space<hbm>> -> memref<10240x4x128xf32, #tpu.memory_space<hbm>>
          tpu.enqueue_indirect_dma source(%dma_start3A_311 : memref<10240x4x128xf32, #tpu.memory_space<hbm>>) target(%arg11 : memref<64x4x128xf32, #tpu.memory_space<vmem>>) offsets(%dma_start3A_307 : memref<64xi32, #tpu.memory_space<vmem>>) semaphore(%run_scoped3A : memref<!tpu.dma_semaphore, #tpu.memory_space<semaphore_mem>>)
          %dma_wait3A = arith.constant 0 : i32
          %dma_wait3A_312 = tpu.memref_slice %arg9[%and3A_305, %dma_wait3A] : memref<32x64xi32, #tpu.memory_space<vmem>> -> memref<1x64xi32, #tpu.memory_space<vmem>>
          %dma_wait3A_313 = tpu.memref_squeeze %dma_wait3A_312 : memref<1x64xi32, #tpu.memory_space<vmem>> -> memref<64xi32, #tpu.memory_space<vmem>>
          %dma_wait3A_314 = arith.constant 0 : i32
          %dma_wait3A_315 = arith.constant 0 : i32
          %dma_wait3A_316 = arith.constant 0 : i32
          %dma_wait3A_317 = tpu.memref_slice %arg2[%dma_wait3A_314, %dma_wait3A_315, %dma_wait3A_316] : memref<10240x4x128xf32, #tpu.memory_space<hbm>> -> memref<10240x4x128xf32, #tpu.memory_space<hbm>>
          tpu.wait_indirect_dma semaphore(%run_scoped3A : memref<!tpu.dma_semaphore, #tpu.memory_space<semaphore_mem>>) src(%dma_wait3A_317 : memref<10240x4x128xf32, #tpu.memory_space<hbm>>) dst(%arg11 : memref<64x4x128xf32, #tpu.memory_space<vmem>>)
          tpu.yield
        }) : () -> ()
        "tpu.region"() ({
          %run_scoped3A = tpu.sem_alloc : memref<!tpu.dma_semaphore, #tpu.memory_space<semaphore_mem>>
          %dma_start3A = arith.constant 0 : i32
          %dma_start3A_306 = tpu.memref_slice %arg10[%and3A_305, %dma_start3A] : memref<32x64xi32, #tpu.memory_space<vmem>> -> memref<1x64xi32, #tpu.memory_space<vmem>>
          %dma_start3A_307 = tpu.memref_squeeze %dma_start3A_306 : memref<1x64xi32, #tpu.memory_space<vmem>> -> memref<64xi32, #tpu.memory_space<vmem>>
          %dma_start3A_308 = arith.constant 0 : i32
          %dma_start3A_309 = arith.constant 0 : i32
          %dma_start3A_310 = arith.constant 0 : i32
          %dma_start3A_311 = tpu.memref_slice %arg6[%dma_start3A_308, %dma_start3A_309, %dma_start3A_310] : memref<2568x4x128xf32, #tpu.memory_space<vmem_shared>> -> memref<2568x4x128xf32, #tpu.memory_space<vmem_shared>>
          tpu.enqueue_indirect_dma source(%arg11 : memref<64x4x128xf32, #tpu.memory_space<vmem>>) target(%dma_start3A_311 : memref<2568x4x128xf32, #tpu.memory_space<vmem_shared>>) offsets(%dma_start3A_307 : memref<64xi32, #tpu.memory_space<vmem>>) semaphore(%run_scoped3A : memref<!tpu.dma_semaphore, #tpu.memory_space<semaphore_mem>>) {add = true}
          %dma_wait3A = arith.constant 0 : i32
          %dma_wait3A_312 = tpu.memref_slice %arg10[%and3A_305, %dma_wait3A] : memref<32x64xi32, #tpu.memory_space<vmem>> -> memref<1x64xi32, #tpu.memory_space<vmem>>
          %dma_wait3A_313 = tpu.memref_squeeze %dma_wait3A_312 : memref<1x64xi32, #tpu.memory_space<vmem>> -> memref<64xi32, #tpu.memory_space<vmem>>
          %dma_wait3A_314 = arith.constant 0 : i32
          %dma_wait3A_315 = arith.constant 0 : i32
          %dma_wait3A_316 = arith.constant 0 : i32
          %dma_wait3A_317 = tpu.memref_slice %arg6[%dma_wait3A_314, %dma_wait3A_315, %dma_wait3A_316] : memref<2568x4x128xf32, #tpu.memory_space<vmem_shared>> -> memref<2568x4x128xf32, #tpu.memory_space<vmem_shared>>
          tpu.wait_indirect_dma semaphore(%run_scoped3A : memref<!tpu.dma_semaphore, #tpu.memory_space<semaphore_mem>>) src(%arg11 : memref<64x4x128xf32, #tpu.memory_space<vmem>>) dst(%dma_wait3A_317 : memref<2568x4x128xf32, #tpu.memory_space<vmem_shared>>)
          tpu.yield
        }) : () -> ()
      }
      %shift_right_arithmetic3A_301 = arith.constant 6 : i32
      %shift_right_arithmetic3A_302 = arith.shrsi %scan3A_289, %shift_right_arithmetic3A_301 : i32
      scf.yield %scan3A_289, %shift_right_arithmetic3A_302 : i32, i32
    }
    %scan3A_15 = arith.constant 5 : i32
    %add3A_16 = arith.constant 0 : i32
    %add3A_17 = arith.addi %scan3A_14#0, %add3A_16 : i32
    %add3A_18 = vector.broadcast %add3A_17 : i32 to vector<16xi32>
    %add3A_19 = arith.addi %add3A_18, %iota3A : vector<16xi32>
    %shift_right_arithmetic3A = arith.constant 6 : i32
    %shift_right_arithmetic3A_20 = vector.broadcast %shift_right_arithmetic3A : i32 to vector<16xi32>
    %shift_right_arithmetic3A_21 = arith.shrsi %add3A_19, %shift_right_arithmetic3A_20 : vector<16xi32>
    %and3A = arith.constant 31 : i32
    %and3A_22 = vector.broadcast %and3A : i32 to vector<16xi32>
    %and3A_23 = arith.andi %shift_right_arithmetic3A_21, %and3A_22 : vector<16xi32>
    %and3A_24 = arith.constant 63 : i32
    %and3A_25 = vector.broadcast %and3A_24 : i32 to vector<16xi32>
    %and3A_26 = arith.andi %add3A_19, %and3A_25 : vector<16xi32>
    %broadcast_in_dim3A = arith.constant 0 : i32
    %broadcast_in_dim3A_27 = vector.broadcast %broadcast_in_dim3A : i32 to vector<16xi32>
    tpu.vector_store_idx %arg9[%and3A_23, %and3A_26], %broadcast_in_dim3A_27 : memref<32x64xi32, #tpu.memory_space<vmem>>[vector<16xi32>, vector<16xi32>], vector<16xi32>,
    %shift_right_arithmetic3A_28 = arith.constant 6 : i32
    %shift_right_arithmetic3A_29 = vector.broadcast %shift_right_arithmetic3A_28 : i32 to vector<16xi32>
    %shift_right_arithmetic3A_30 = arith.shrsi %add3A_19, %shift_right_arithmetic3A_29 : vector<16xi32>
    %and3A_31 = arith.constant 31 : i32
    %and3A_32 = vector.broadcast %and3A_31 : i32 to vector<16xi32>
    %and3A_33 = arith.andi %shift_right_arithmetic3A_30, %and3A_32 : vector<16xi32>
    %and3A_34 = arith.constant 63 : i32
    %and3A_35 = vector.broadcast %and3A_34 : i32 to vector<16xi32>
    %and3A_36 = arith.andi %add3A_19, %and3A_35 : vector<16xi32>
    %broadcast_in_dim3A_37 = arith.constant 2560 : i32
    %broadcast_in_dim3A_38 = vector.broadcast %broadcast_in_dim3A_37 : i32 to vector<16xi32>
    tpu.vector_store_idx %arg10[%and3A_33, %and3A_36], %broadcast_in_dim3A_38 : memref<32x64xi32, #tpu.memory_space<vmem>>[vector<16xi32>, vector<16xi32>], vector<16xi32>,
    %add3A_39 = arith.constant 16 : i32
    %add3A_40 = arith.addi %scan3A_14#0, %add3A_39 : i32
    %add3A_41 = vector.broadcast %add3A_40 : i32 to vector<16xi32>
    %add3A_42 = arith.addi %add3A_41, %iota3A : vector<16xi32>
    %shift_right_arithmetic3A_43 = arith.constant 6 : i32
    %shift_right_arithmetic3A_44 = vector.broadcast %shift_right_arithmetic3A_43 : i32 to vector<16xi32>
    %shift_right_arithmetic3A_45 = arith.shrsi %add3A_42, %shift_right_arithmetic3A_44 : vector<16xi32>
    %and3A_46 = arith.constant 31 : i32
    %and3A_47 = vector.broadcast %and3A_46 : i32 to vector<16xi32>
    %and3A_48 = arith.andi %shift_right_arithmetic3A_45, %and3A_47 : vector<16xi32>
    %and3A_49 = arith.constant 63 : i32
    %and3A_50 = vector.broadcast %and3A_49 : i32 to vector<16xi32>
    %and3A_51 = arith.andi %add3A_42, %and3A_50 : vector<16xi32>
    %broadcast_in_dim3A_52 = arith.constant 0 : i32
    %broadcast_in_dim3A_53 = vector.broadcast %broadcast_in_dim3A_52 : i32 to vector<16xi32>
    tpu.vector_store_idx %arg9[%and3A_48, %and3A_51], %broadcast_in_dim3A_53 : memref<32x64xi32, #tpu.memory_space<vmem>>[vector<16xi32>, vector<16xi32>], vector<16xi32>,
    %shift_right_arithmetic3A_54 = arith.constant 6 : i32
    %shift_right_arithmetic3A_55 = vector.broadcast %shift_right_arithmetic3A_54 : i32 to vector<16xi32>
    %shift_right_arithmetic3A_56 = arith.shrsi %add3A_42, %shift_right_arithmetic3A_55 : vector<16xi32>
    %and3A_57 = arith.constant 31 : i32
    %and3A_58 = vector.broadcast %and3A_57 : i32 to vector<16xi32>
    %and3A_59 = arith.andi %shift_right_arithmetic3A_56, %and3A_58 : vector<16xi32>
    %and3A_60 = arith.constant 63 : i32
    %and3A_61 = vector.broadcast %and3A_60 : i32 to vector<16xi32>
    %and3A_62 = arith.andi %add3A_42, %and3A_61 : vector<16xi32>
    %broadcast_in_dim3A_63 = arith.constant 2560 : i32
    %broadcast_in_dim3A_64 = vector.broadcast %broadcast_in_dim3A_63 : i32 to vector<16xi32>
    tpu.vector_store_idx %arg10[%and3A_59, %and3A_62], %broadcast_in_dim3A_64 : memref<32x64xi32, #tpu.memory_space<vmem>>[vector<16xi32>, vector<16xi32>], vector<16xi32>,
    %add3A_65 = arith.constant 32 : i32
    %add3A_66 = arith.addi %scan3A_14#0, %add3A_65 : i32
    %add3A_67 = vector.broadcast %add3A_66 : i32 to vector<16xi32>
    %add3A_68 = arith.addi %add3A_67, %iota3A : vector<16xi32>
    %shift_right_arithmetic3A_69 = arith.constant 6 : i32
    %shift_right_arithmetic3A_70 = vector.broadcast %shift_right_arithmetic3A_69 : i32 to vector<16xi32>
    %shift_right_arithmetic3A_71 = arith.shrsi %add3A_68, %shift_right_arithmetic3A_70 : vector<16xi32>
    %and3A_72 = arith.constant 31 : i32
    %and3A_73 = vector.broadcast %and3A_72 : i32 to vector<16xi32>
    %and3A_74 = arith.andi %shift_right_arithmetic3A_71, %and3A_73 : vector<16xi32>
    %and3A_75 = arith.constant 63 : i32
    %and3A_76 = vector.broadcast %and3A_75 : i32 to vector<16xi32>
    %and3A_77 = arith.andi %add3A_68, %and3A_76 : vector<16xi32>
    %broadcast_in_dim3A_78 = arith.constant 0 : i32
    %broadcast_in_dim3A_79 = vector.broadcast %broadcast_in_dim3A_78 : i32 to vector<16xi32>
    tpu.vector_store_idx %arg9[%and3A_74, %and3A_77], %broadcast_in_dim3A_79 : memref<32x64xi32, #tpu.memory_space<vmem>>[vector<16xi32>, vector<16xi32>], vector<16xi32>,
    %shift_right_arithmetic3A_80 = arith.constant 6 : i32
    %shift_right_arithmetic3A_81 = vector.broadcast %shift_right_arithmetic3A_80 : i32 to vector<16xi32>
    %shift_right_arithmetic3A_82 = arith.shrsi %add3A_68, %shift_right_arithmetic3A_81 : vector<16xi32>
    %and3A_83 = arith.constant 31 : i32
    %and3A_84 = vector.broadcast %and3A_83 : i32 to vector<16xi32>
    %and3A_85 = arith.andi %shift_right_arithmetic3A_82, %and3A_84 : vector<16xi32>
    %and3A_86 = arith.constant 63 : i32
    %and3A_87 = vector.broadcast %and3A_86 : i32 to vector<16xi32>
    %and3A_88 = arith.andi %add3A_68, %and3A_87 : vector<16xi32>
    %broadcast_in_dim3A_89 = arith.constant 2560 : i32
    %broadcast_in_dim3A_90 = vector.broadcast %broadcast_in_dim3A_89 : i32 to vector<16xi32>
    tpu.vector_store_idx %arg10[%and3A_85, %and3A_88], %broadcast_in_dim3A_90 : memref<32x64xi32, #tpu.memory_space<vmem>>[vector<16xi32>, vector<16xi32>], vector<16xi32>,
    %add3A_91 = arith.constant 48 : i32
    %add3A_92 = arith.addi %scan3A_14#0, %add3A_91 : i32
    %add3A_93 = vector.broadcast %add3A_92 : i32 to vector<16xi32>
    %add3A_94 = arith.addi %add3A_93, %iota3A : vector<16xi32>
    %shift_right_arithmetic3A_95 = arith.constant 6 : i32
    %shift_right_arithmetic3A_96 = vector.broadcast %shift_right_arithmetic3A_95 : i32 to vector<16xi32>
    %shift_right_arithmetic3A_97 = arith.shrsi %add3A_94, %shift_right_arithmetic3A_96 : vector<16xi32>
    %and3A_98 = arith.constant 31 : i32
    %and3A_99 = vector.broadcast %and3A_98 : i32 to vector<16xi32>
    %and3A_100 = arith.andi %shift_right_arithmetic3A_97, %and3A_99 : vector<16xi32>
    %and3A_101 = arith.constant 63 : i32
    %and3A_102 = vector.broadcast %and3A_101 : i32 to vector<16xi32>
    %and3A_103 = arith.andi %add3A_94, %and3A_102 : vector<16xi32>
    %broadcast_in_dim3A_104 = arith.constant 0 : i32
    %broadcast_in_dim3A_105 = vector.broadcast %broadcast_in_dim3A_104 : i32 to vector<16xi32>
    tpu.vector_store_idx %arg9[%and3A_100, %and3A_103], %broadcast_in_dim3A_105 : memref<32x64xi32, #tpu.memory_space<vmem>>[vector<16xi32>, vector<16xi32>], vector<16xi32>,
    %shift_right_arithmetic3A_106 = arith.constant 6 : i32
    %shift_right_arithmetic3A_107 = vector.broadcast %shift_right_arithmetic3A_106 : i32 to vector<16xi32>
    %shift_right_arithmetic3A_108 = arith.shrsi %add3A_94, %shift_right_arithmetic3A_107 : vector<16xi32>
    %and3A_109 = arith.constant 31 : i32
    %and3A_110 = vector.broadcast %and3A_109 : i32 to vector<16xi32>
    %and3A_111 = arith.andi %shift_right_arithmetic3A_108, %and3A_110 : vector<16xi32>
    %and3A_112 = arith.constant 63 : i32
    %and3A_113 = vector.broadcast %and3A_112 : i32 to vector<16xi32>
    %and3A_114 = arith.andi %add3A_94, %and3A_113 : vector<16xi32>
    %broadcast_in_dim3A_115 = arith.constant 2560 : i32
    %broadcast_in_dim3A_116 = vector.broadcast %broadcast_in_dim3A_115 : i32 to vector<16xi32>
    tpu.vector_store_idx %arg10[%and3A_111, %and3A_114], %broadcast_in_dim3A_116 : memref<32x64xi32, #tpu.memory_space<vmem>>[vector<16xi32>, vector<16xi32>], vector<16xi32>,
    %add3A_117 = arith.constant 63 : i32
    %add3A_118 = arith.addi %scan3A_14#0, %add3A_117 : i32
    %shift_right_arithmetic3A_119 = arith.constant 6 : i32
    %shift_right_arithmetic3A_120 = arith.shrsi %add3A_118, %shift_right_arithmetic3A_119 : i32
    %while3A = arith.subi %shift_right_arithmetic3A_120, %scan3A_14#1 : i32
    %while3A_121 = arith.addi %scan3A_14#1, %while3A : i32
    %while3A_122 = arith.constant 1 : i32
    %while3A_123 = arith.divsi %while3A, %while3A_122 : i32
    %while3A_124 = arith.muli %while3A_123, %while3A_122 : i32
    %while3A_125 = arith.addi %scan3A_14#1, %while3A_124 : i32
    %while3A_126 = arith.constant 1 : i32
    scf.for %while3A_276 = %scan3A_14#1 to %while3A_125 step %while3A_126  : i32 {
      %and3A_277 = arith.constant 31 : i32
      %and3A_278 = arith.andi %while3A_276, %and3A_277 : i32
      "tpu.region"() ({
        %run_scoped3A = tpu.sem_alloc : memref<!tpu.dma_semaphore, #tpu.memory_space<semaphore_mem>>
        %dma_start3A = arith.constant 0 : i32
        %dma_start3A_279 = tpu.memref_slice %arg9[%and3A_278, %dma_start3A] : memref<32x64xi32, #tpu.memory_space<vmem>> -> memref<1x64xi32, #tpu.memory_space<vmem>>
        %dma_start3A_280 = tpu.memref_squeeze %dma_start3A_279 : memref<1x64xi32, #tpu.memory_space<vmem>> -> memref<64xi32, #tpu.memory_space<vmem>>
        %dma_start3A_281 = arith.constant 0 : i32
        %dma_start3A_282 = arith.constant 0 : i32
        %dma_start3A_283 = arith.constant 0 : i32
        %dma_start3A_284 = tpu.memref_slice %arg2[%dma_start3A_281, %dma_start3A_282, %dma_start3A_283] : memref<10240x4x128xf32, #tpu.memory_space<hbm>> -> memref<10240x4x128xf32, #tpu.memory_space<hbm>>
        tpu.enqueue_indirect_dma source(%dma_start3A_284 : memref<10240x4x128xf32, #tpu.memory_space<hbm>>) target(%arg11 : memref<64x4x128xf32, #tpu.memory_space<vmem>>) offsets(%dma_start3A_280 : memref<64xi32, #tpu.memory_space<vmem>>) semaphore(%run_scoped3A : memref<!tpu.dma_semaphore, #tpu.memory_space<semaphore_mem>>)
        %dma_wait3A = arith.constant 0 : i32
        %dma_wait3A_285 = tpu.memref_slice %arg9[%and3A_278, %dma_wait3A] : memref<32x64xi32, #tpu.memory_space<vmem>> -> memref<1x64xi32, #tpu.memory_space<vmem>>
        %dma_wait3A_286 = tpu.memref_squeeze %dma_wait3A_285 : memref<1x64xi32, #tpu.memory_space<vmem>> -> memref<64xi32, #tpu.memory_space<vmem>>
        %dma_wait3A_287 = arith.constant 0 : i32
        %dma_wait3A_288 = arith.constant 0 : i32
        %dma_wait3A_289 = arith.constant 0 : i32
        %dma_wait3A_290 = tpu.memref_slice %arg2[%dma_wait3A_287, %dma_wait3A_288, %dma_wait3A_289] : memref<10240x4x128xf32, #tpu.memory_space<hbm>> -> memref<10240x4x128xf32, #tpu.memory_space<hbm>>
        tpu.wait_indirect_dma semaphore(%run_scoped3A : memref<!tpu.dma_semaphore, #tpu.memory_space<semaphore_mem>>) src(%dma_wait3A_290 : memref<10240x4x128xf32, #tpu.memory_space<hbm>>) dst(%arg11 : memref<64x4x128xf32, #tpu.memory_space<vmem>>)
        tpu.yield
      }) : () -> ()
      "tpu.region"() ({
        %run_scoped3A = tpu.sem_alloc : memref<!tpu.dma_semaphore, #tpu.memory_space<semaphore_mem>>
        %dma_start3A = arith.constant 0 : i32
        %dma_start3A_279 = tpu.memref_slice %arg10[%and3A_278, %dma_start3A] : memref<32x64xi32, #tpu.memory_space<vmem>> -> memref<1x64xi32, #tpu.memory_space<vmem>>
        %dma_start3A_280 = tpu.memref_squeeze %dma_start3A_279 : memref<1x64xi32, #tpu.memory_space<vmem>> -> memref<64xi32, #tpu.memory_space<vmem>>
        %dma_start3A_281 = arith.constant 0 : i32
        %dma_start3A_282 = arith.constant 0 : i32
        %dma_start3A_283 = arith.constant 0 : i32
        %dma_start3A_284 = tpu.memref_slice %arg6[%dma_start3A_281, %dma_start3A_282, %dma_start3A_283] : memref<2568x4x128xf32, #tpu.memory_space<vmem_shared>> -> memref<2568x4x128xf32, #tpu.memory_space<vmem_shared>>
        tpu.enqueue_indirect_dma source(%arg11 : memref<64x4x128xf32, #tpu.memory_space<vmem>>) target(%dma_start3A_284 : memref<2568x4x128xf32, #tpu.memory_space<vmem_shared>>) offsets(%dma_start3A_280 : memref<64xi32, #tpu.memory_space<vmem>>) semaphore(%run_scoped3A : memref<!tpu.dma_semaphore, #tpu.memory_space<semaphore_mem>>) {add = true}
        %dma_wait3A = arith.constant 0 : i32
        %dma_wait3A_285 = tpu.memref_slice %arg10[%and3A_278, %dma_wait3A] : memref<32x64xi32, #tpu.memory_space<vmem>> -> memref<1x64xi32, #tpu.memory_space<vmem>>
        %dma_wait3A_286 = tpu.memref_squeeze %dma_wait3A_285 : memref<1x64xi32, #tpu.memory_space<vmem>> -> memref<64xi32, #tpu.memory_space<vmem>>
        %dma_wait3A_287 = arith.constant 0 : i32
        %dma_wait3A_288 = arith.constant 0 : i32
        %dma_wait3A_289 = arith.constant 0 : i32
        %dma_wait3A_290 = tpu.memref_slice %arg6[%dma_wait3A_287, %dma_wait3A_288, %dma_wait3A_289] : memref<2568x4x128xf32, #tpu.memory_space<vmem_shared>> -> memref<2568x4x128xf32, #tpu.memory_space<vmem_shared>>
        tpu.wait_indirect_dma semaphore(%run_scoped3A : memref<!tpu.dma_semaphore, #tpu.memory_space<semaphore_mem>>) src(%arg11 : memref<64x4x128xf32, #tpu.memory_space<vmem>>) dst(%dma_wait3A_290 : memref<2568x4x128xf32, #tpu.memory_space<vmem_shared>>)
        tpu.yield
      }) : () -> ()
    }
    %while3A_127 = arith.constant 1 : i32
    scf.for %while3A_276 = %while3A_125 to %while3A_121 step %while3A_127  : i32 {
      %and3A_277 = arith.constant 31 : i32
      %and3A_278 = arith.andi %while3A_276, %and3A_277 : i32
      "tpu.region"() ({
        %run_scoped3A = tpu.sem_alloc : memref<!tpu.dma_semaphore, #tpu.memory_space<semaphore_mem>>
        %dma_start3A = arith.constant 0 : i32
        %dma_start3A_279 = tpu.memref_slice %arg9[%and3A_278, %dma_start3A] : memref<32x64xi32, #tpu.memory_space<vmem>> -> memref<1x64xi32, #tpu.memory_space<vmem>>
        %dma_start3A_280 = tpu.memref_squeeze %dma_start3A_279 : memref<1x64xi32, #tpu.memory_space<vmem>> -> memref<64xi32, #tpu.memory_space<vmem>>
        %dma_start3A_281 = arith.constant 0 : i32
        %dma_start3A_282 = arith.constant 0 : i32
        %dma_start3A_283 = arith.constant 0 : i32
        %dma_start3A_284 = tpu.memref_slice %arg2[%dma_start3A_281, %dma_start3A_282, %dma_start3A_283] : memref<10240x4x128xf32, #tpu.memory_space<hbm>> -> memref<10240x4x128xf32, #tpu.memory_space<hbm>>
        tpu.enqueue_indirect_dma source(%dma_start3A_284 : memref<10240x4x128xf32, #tpu.memory_space<hbm>>) target(%arg11 : memref<64x4x128xf32, #tpu.memory_space<vmem>>) offsets(%dma_start3A_280 : memref<64xi32, #tpu.memory_space<vmem>>) semaphore(%run_scoped3A : memref<!tpu.dma_semaphore, #tpu.memory_space<semaphore_mem>>)
        %dma_wait3A = arith.constant 0 : i32
        %dma_wait3A_285 = tpu.memref_slice %arg9[%and3A_278, %dma_wait3A] : memref<32x64xi32, #tpu.memory_space<vmem>> -> memref<1x64xi32, #tpu.memory_space<vmem>>
        %dma_wait3A_286 = tpu.memref_squeeze %dma_wait3A_285 : memref<1x64xi32, #tpu.memory_space<vmem>> -> memref<64xi32, #tpu.memory_space<vmem>>
        %dma_wait3A_287 = arith.constant 0 : i32
        %dma_wait3A_288 = arith.constant 0 : i32
        %dma_wait3A_289 = arith.constant 0 : i32
        %dma_wait3A_290 = tpu.memref_slice %arg2[%dma_wait3A_287, %dma_wait3A_288, %dma_wait3A_289] : memref<10240x4x128xf32, #tpu.memory_space<hbm>> -> memref<10240x4x128xf32, #tpu.memory_space<hbm>>
        tpu.wait_indirect_dma semaphore(%run_scoped3A : memref<!tpu.dma_semaphore, #tpu.memory_space<semaphore_mem>>) src(%dma_wait3A_290 : memref<10240x4x128xf32, #tpu.memory_space<hbm>>) dst(%arg11 : memref<64x4x128xf32, #tpu.memory_space<vmem>>)
        tpu.yield
      }) : () -> ()
      "tpu.region"() ({
        %run_scoped3A = tpu.sem_alloc : memref<!tpu.dma_semaphore, #tpu.memory_space<semaphore_mem>>
        %dma_start3A = arith.constant 0 : i32
        %dma_start3A_279 = tpu.memref_slice %arg10[%and3A_278, %dma_start3A] : memref<32x64xi32, #tpu.memory_space<vmem>> -> memref<1x64xi32, #tpu.memory_space<vmem>>
        %dma_start3A_280 = tpu.memref_squeeze %dma_start3A_279 : memref<1x64xi32, #tpu.memory_space<vmem>> -> memref<64xi32, #tpu.memory_space<vmem>>
        %dma_start3A_281 = arith.constant 0 : i32
        %dma_start3A_282 = arith.constant 0 : i32
        %dma_start3A_283 = arith.constant 0 : i32
        %dma_start3A_284 = tpu.memref_slice %arg6[%dma_start3A_281, %dma_start3A_282, %dma_start3A_283] : memref<2568x4x128xf32, #tpu.memory_space<vmem_shared>> -> memref<2568x4x128xf32, #tpu.memory_space<vmem_shared>>
        tpu.enqueue_indirect_dma source(%arg11 : memref<64x4x128xf32, #tpu.memory_space<vmem>>) target(%dma_start3A_284 : memref<2568x4x128xf32, #tpu.memory_space<vmem_shared>>) offsets(%dma_start3A_280 : memref<64xi32, #tpu.memory_space<vmem>>) semaphore(%run_scoped3A : memref<!tpu.dma_semaphore, #tpu.memory_space<semaphore_mem>>) {add = true}
        %dma_wait3A = arith.constant 0 : i32
        %dma_wait3A_285 = tpu.memref_slice %arg10[%and3A_278, %dma_wait3A] : memref<32x64xi32, #tpu.memory_space<vmem>> -> memref<1x64xi32, #tpu.memory_space<vmem>>
        %dma_wait3A_286 = tpu.memref_squeeze %dma_wait3A_285 : memref<1x64xi32, #tpu.memory_space<vmem>> -> memref<64xi32, #tpu.memory_space<vmem>>
        %dma_wait3A_287 = arith.constant 0 : i32
        %dma_wait3A_288 = arith.constant 0 : i32
        %dma_wait3A_289 = arith.constant 0 : i32
        %dma_wait3A_290 = tpu.memref_slice %arg6[%dma_wait3A_287, %dma_wait3A_288, %dma_wait3A_289] : memref<2568x4x128xf32, #tpu.memory_space<vmem_shared>> -> memref<2568x4x128xf32, #tpu.memory_space<vmem_shared>>
        tpu.wait_indirect_dma semaphore(%run_scoped3A : memref<!tpu.dma_semaphore, #tpu.memory_space<semaphore_mem>>) src(%arg11 : memref<64x4x128xf32, #tpu.memory_space<vmem>>) dst(%dma_wait3A_290 : memref<2568x4x128xf32, #tpu.memory_space<vmem_shared>>)
        tpu.yield
      }) : () -> ()
    }
    %barrier3A_128 = arith.constant 0 : index
    tpu.barrier barrier_id(%barrier3A_128)
    %mul3A_129 = arith.constant 160 : i32
    %mul3A_130 = arith.muli %arg1, %mul3A_129 : i32
    %mul3A_131 = arith.constant 160 : i32
    %mul3A_132 = arith.muli %arg1, %mul3A_131 : i32
    %add3A_133 = arith.addi %mul3A_1, %mul3A_132 : i32
    "tpu.region"() ({
      %run_scoped3A = tpu.sem_alloc : memref<!tpu.dma_semaphore, #tpu.memory_space<semaphore_mem>>
      %dma_start3A = arith.constant 0 : i32
      %dma_start3A_276 = arith.constant 0 : i32
      %dma_start3A_277 = tpu.memref_slice %arg5[%add3A_133, %dma_start3A, %dma_start3A_276] : memref<10240x4x128xf32, #tpu.memory_space<hbm>> -> memref<160x4x128xf32, #tpu.memory_space<hbm>>
      %dma_start3A_278 = arith.constant 0 : i32
      %dma_start3A_279 = arith.constant 0 : i32
      %dma_start3A_280 = tpu.memref_slice %arg6[%mul3A_130, %dma_start3A_278, %dma_start3A_279] : memref<2568x4x128xf32, #tpu.memory_space<vmem_shared>> -> memref<160x4x128xf32, #tpu.memory_space<vmem_shared>>
      tpu.enqueue_dma source(%dma_start3A_280 : memref<160x4x128xf32, #tpu.memory_space<vmem_shared>>) target(%dma_start3A_277 : memref<160x4x128xf32, #tpu.memory_space<hbm>>) target_semaphore(%run_scoped3A : memref<!tpu.dma_semaphore, #tpu.memory_space<semaphore_mem>>)
      %dma_wait3A = arith.constant 0 : i32
      %dma_wait3A_281 = arith.constant 0 : i32
      %dma_wait3A_282 = tpu.memref_slice %arg5[%add3A_133, %dma_wait3A, %dma_wait3A_281] : memref<10240x4x128xf32, #tpu.memory_space<hbm>> -> memref<160x4x128xf32, #tpu.memory_space<hbm>>
      %dma_wait3A_283 = arith.constant 0 : i32
      %dma_wait3A_284 = arith.constant 0 : i32
      %dma_wait3A_285 = tpu.memref_slice %arg6[%mul3A_130, %dma_wait3A_283, %dma_wait3A_284] : memref<2568x4x128xf32, #tpu.memory_space<vmem_shared>> -> memref<160x4x128xf32, #tpu.memory_space<vmem_shared>>
      tpu.wait_dma2 semaphore(%run_scoped3A : memref<!tpu.dma_semaphore, #tpu.memory_space<semaphore_mem>>) src(%dma_wait3A_285 : memref<160x4x128xf32, #tpu.memory_space<vmem_shared>>) dst(%dma_wait3A_282 : memref<160x4x128xf32, #tpu.memory_space<hbm>>)
      tpu.yield
    }) : () -> ()
    %add3A_134 = arith.constant 2 : i32
    %add3A_135 = arith.addi %arg0, %add3A_134 : i32
    %mul3A_136 = arith.constant 2560 : i32
    %mul3A_137 = arith.muli %add3A_135, %mul3A_136 : i32
    %mul3A_138 = arith.constant 160 : i32
    %mul3A_139 = arith.muli %arg1, %mul3A_138 : i32
    %add3A_140 = arith.addi %mul3A_137, %mul3A_139 : i32
    %mul3A_141 = arith.constant 160 : i32
    %mul3A_142 = arith.muli %arg1, %mul3A_141 : i32
    "tpu.region"() ({
      %run_scoped3A = tpu.sem_alloc : memref<!tpu.dma_semaphore, #tpu.memory_space<semaphore_mem>>
      %dma_start3A = arith.constant 0 : i32
      %dma_start3A_276 = arith.constant 0 : i32
      %dma_start3A_277 = tpu.memref_slice %arg6[%mul3A_142, %dma_start3A, %dma_start3A_276] : memref<2568x4x128xf32, #tpu.memory_space<vmem_shared>> -> memref<160x4x128xf32, #tpu.memory_space<vmem_shared>>
      %dma_start3A_278 = arith.constant 0 : i32
      %dma_start3A_279 = arith.constant 0 : i32
      %dma_start3A_280 = tpu.memref_slice %arg2[%add3A_140, %dma_start3A_278, %dma_start3A_279] : memref<10240x4x128xf32, #tpu.memory_space<hbm>> -> memref<160x4x128xf32, #tpu.memory_space<hbm>>
      tpu.enqueue_dma source(%dma_start3A_280 : memref<160x4x128xf32, #tpu.memory_space<hbm>>) target(%dma_start3A_277 : memref<160x4x128xf32, #tpu.memory_space<vmem_shared>>) target_semaphore(%run_scoped3A : memref<!tpu.dma_semaphore, #tpu.memory_space<semaphore_mem>>)
      %dma_wait3A = arith.constant 0 : i32
      %dma_wait3A_281 = arith.constant 0 : i32
      %dma_wait3A_282 = tpu.memref_slice %arg6[%mul3A_142, %dma_wait3A, %dma_wait3A_281] : memref<2568x4x128xf32, #tpu.memory_space<vmem_shared>> -> memref<160x4x128xf32, #tpu.memory_space<vmem_shared>>
      %dma_wait3A_283 = arith.constant 0 : i32
      %dma_wait3A_284 = arith.constant 0 : i32
      %dma_wait3A_285 = tpu.memref_slice %arg2[%add3A_140, %dma_wait3A_283, %dma_wait3A_284] : memref<10240x4x128xf32, #tpu.memory_space<hbm>> -> memref<160x4x128xf32, #tpu.memory_space<hbm>>
      tpu.wait_dma2 semaphore(%run_scoped3A : memref<!tpu.dma_semaphore, #tpu.memory_space<semaphore_mem>>) src(%dma_wait3A_285 : memref<160x4x128xf32, #tpu.memory_space<hbm>>) dst(%dma_wait3A_282 : memref<160x4x128xf32, #tpu.memory_space<vmem_shared>>)
      tpu.yield
    }) : () -> ()
    %barrier3A_143 = arith.constant 0 : index
    tpu.barrier barrier_id(%barrier3A_143)
    %mul3A_144 = arith.constant 10240 : i32
    %mul3A_145 = arith.muli %arg1, %mul3A_144 : i32
    %scan3A_146 = arith.constant 0 : i32
    %scan3A_147 = arith.constant 0 : i32
    %scan3A_148 = arith.constant 0 : i32
    %scan3A_149 = arith.constant 5 : i32
    %scan3A_150 = arith.addi %scan3A_148, %scan3A_149 : i32
    %scan3A_151 = arith.constant 1 : i32
    %scan3A_152:2 = scf.for %scan3A_276 = %scan3A_148 to %scan3A_150 step %scan3A_151 iter_args(%scan3A_277 = %scan3A_146, %scan3A_278 = %scan3A_147) -> (i32, i32)  : i32 {
      %mul3A_279 = arith.constant 2048 : i32
      %mul3A_280 = arith.muli %scan3A_276, %mul3A_279 : i32
      %add3A_281 = arith.addi %mul3A_145, %mul3A_280 : i32
      "tpu.region"() ({
        %run_scoped3A = tpu.sem_alloc : memref<!tpu.dma_semaphore, #tpu.memory_space<semaphore_mem>>
        %dma_start3A = tpu.memref_slice %arg3[%add3A_281] : memref<163840xi32, #tpu.memory_space<hbm>> -> memref<2048xi32, #tpu.memory_space<hbm>>
        %dma_start3A_303 = tpu.memref_slice %arg3[%add3A_281] : memref<163840xi32, #tpu.memory_space<hbm>> -> memref<2048xi32, #tpu.memory_space<hbm>>
        tpu.enqueue_dma source(%dma_start3A_303 : memref<2048xi32, #tpu.memory_space<hbm>>) target(%arg7 : memref<2048xi32, #tpu.memory_space<vmem>>) target_semaphore(%run_scoped3A : memref<!tpu.dma_semaphore, #tpu.memory_space<semaphore_mem>>)
        %dma_wait3A = tpu.memref_slice %arg3[%add3A_281] : memref<163840xi32, #tpu.memory_space<hbm>> -> memref<2048xi32, #tpu.memory_space<hbm>>
        %dma_wait3A_304 = tpu.memref_slice %arg3[%add3A_281] : memref<163840xi32, #tpu.memory_space<hbm>> -> memref<2048xi32, #tpu.memory_space<hbm>>
        tpu.wait_dma2 semaphore(%run_scoped3A : memref<!tpu.dma_semaphore, #tpu.memory_space<semaphore_mem>>) src(%dma_wait3A_304 : memref<2048xi32, #tpu.memory_space<hbm>>) dst(%arg7 : memref<2048xi32, #tpu.memory_space<vmem>>)
        tpu.yield
      }) : () -> ()
      %mul3A_282 = arith.constant 2048 : i32
      %mul3A_283 = arith.muli %scan3A_276, %mul3A_282 : i32
      %add3A_284 = arith.addi %mul3A_145, %mul3A_283 : i32
      "tpu.region"() ({
        %run_scoped3A = tpu.sem_alloc : memref<!tpu.dma_semaphore, #tpu.memory_space<semaphore_mem>>
        %dma_start3A = tpu.memref_slice %arg4[%add3A_284] : memref<163840xi32, #tpu.memory_space<hbm>> -> memref<2048xi32, #tpu.memory_space<hbm>>
        %dma_start3A_303 = tpu.memref_slice %arg4[%add3A_284] : memref<163840xi32, #tpu.memory_space<hbm>> -> memref<2048xi32, #tpu.memory_space<hbm>>
        tpu.enqueue_dma source(%dma_start3A_303 : memref<2048xi32, #tpu.memory_space<hbm>>) target(%arg8 : memref<2048xi32, #tpu.memory_space<vmem>>) target_semaphore(%run_scoped3A : memref<!tpu.dma_semaphore, #tpu.memory_space<semaphore_mem>>)
        %dma_wait3A = tpu.memref_slice %arg4[%add3A_284] : memref<163840xi32, #tpu.memory_space<hbm>> -> memref<2048xi32, #tpu.memory_space<hbm>>
        %dma_wait3A_304 = tpu.memref_slice %arg4[%add3A_284] : memref<163840xi32, #tpu.memory_space<hbm>> -> memref<2048xi32, #tpu.memory_space<hbm>>
        tpu.wait_dma2 semaphore(%run_scoped3A : memref<!tpu.dma_semaphore, #tpu.memory_space<semaphore_mem>>) src(%dma_wait3A_304 : memref<2048xi32, #tpu.memory_space<hbm>>) dst(%arg8 : memref<2048xi32, #tpu.memory_space<vmem>>)
        tpu.yield
      }) : () -> ()
      %scan3A_285 = arith.constant 0 : i32
      %scan3A_286 = arith.constant 128 : i32
      %scan3A_287 = arith.addi %scan3A_285, %scan3A_286 : i32
      %scan3A_288 = arith.constant 1 : i32
      %scan3A_289 = scf.for %scan3A_303 = %scan3A_285 to %scan3A_287 step %scan3A_288 iter_args(%scan3A_304 = %scan3A_277) -> (i32)  : i32 {
        %mul3A_305 = arith.constant 16 : i32
        %mul3A_306 = arith.muli %scan3A_303, %mul3A_305 : i32
        %get3A = arith.index_cast %mul3A_306 : i32 to index
        %get3A_307 = tpu.vector_load %arg7[%get3A] {strides = array<i32>} : memref<2048xi32, #tpu.memory_space<vmem>>, vector<16xi32>,
        %mul3A_308 = arith.constant 16 : i32
        %mul3A_309 = arith.muli %scan3A_303, %mul3A_308 : i32
        %get3A_310 = arith.index_cast %mul3A_309 : i32 to index
        %get3A_311 = tpu.vector_load %arg8[%get3A_310] {strides = array<i32>} : memref<2048xi32, #tpu.memory_space<vmem>>, vector<16xi32>,
        %sub3A = vector.broadcast %mul3A_137 : i32 to vector<16xi32>
        %sub3A_312 = arith.subi %get3A_311, %sub3A : vector<16xi32>
        %ge3A = arith.constant 0 : i32
        %ge3A_313 = vector.broadcast %ge3A : i32 to vector<16xi32>
        %ge3A_314 = arith.cmpi sge, %sub3A_312, %ge3A_313 : vector<16xi32>
        %lt3A = arith.constant 2560 : i32
        %lt3A_315 = vector.broadcast %lt3A : i32 to vector<16xi32>
        %lt3A_316 = arith.cmpi slt, %sub3A_312, %lt3A_315 : vector<16xi32>
        %and3A_317 = arith.andi %ge3A_314, %lt3A_316 : vector<16xi1>
        %convert_element_type3A = arith.extui %and3A_317 : vector<16xi1> to vector<16xi32>
        %broadcast_in_dim3A_318 = arith.constant true
        %broadcast_in_dim3A_319 = vector.broadcast %broadcast_in_dim3A_318 : i1 to vector<16xi1>
        %masked_cumsum3A = tpu.scan <sum>, %convert_element_type3A masked %broadcast_in_dim3A_319 : vector<16xi32>, vector<16xi1> -> vector<16xi32>
        %add3A_320 = vector.broadcast %scan3A_304 : i32 to vector<16xi32>
        %add3A_321 = arith.addi %add3A_320, %masked_cumsum3A : vector<16xi32>
        %sub3A_322 = arith.constant 1 : i32
        %sub3A_323 = vector.broadcast %sub3A_322 : i32 to vector<16xi32>
        %sub3A_324 = arith.subi %add3A_321, %sub3A_323 : vector<16xi32>
        %shift_right_arithmetic3A_325 = arith.constant 6 : i32
        %shift_right_arithmetic3A_326 = vector.broadcast %shift_right_arithmetic3A_325 : i32 to vector<16xi32>
        %shift_right_arithmetic3A_327 = arith.shrsi %sub3A_324, %shift_right_arithmetic3A_326 : vector<16xi32>
        %and3A_328 = arith.constant 31 : i32
        %and3A_329 = vector.broadcast %and3A_328 : i32 to vector<16xi32>
        %and3A_330 = arith.andi %shift_right_arithmetic3A_327, %and3A_329 : vector<16xi32>
        %and3A_331 = arith.constant 63 : i32
        %and3A_332 = vector.broadcast %and3A_331 : i32 to vector<16xi32>
        %and3A_333 = arith.andi %sub3A_324, %and3A_332 : vector<16xi32>
        tpu.vector_store_idx %arg9[%and3A_330, %and3A_333], %get3A_307 masked %and3A_317 : memref<32x64xi32, #tpu.memory_space<vmem>>[vector<16xi32>, vector<16xi32>], vector<16xi32>, vector<16xi1>
        %shift_right_arithmetic3A_334 = arith.constant 6 : i32
        %shift_right_arithmetic3A_335 = vector.broadcast %shift_right_arithmetic3A_334 : i32 to vector<16xi32>
        %shift_right_arithmetic3A_336 = arith.shrsi %sub3A_324, %shift_right_arithmetic3A_335 : vector<16xi32>
        %and3A_337 = arith.constant 31 : i32
        %and3A_338 = vector.broadcast %and3A_337 : i32 to vector<16xi32>
        %and3A_339 = arith.andi %shift_right_arithmetic3A_336, %and3A_338 : vector<16xi32>
        %and3A_340 = arith.constant 63 : i32
        %and3A_341 = vector.broadcast %and3A_340 : i32 to vector<16xi32>
        %and3A_342 = arith.andi %sub3A_324, %and3A_341 : vector<16xi32>
        tpu.vector_store_idx %arg10[%and3A_339, %and3A_342], %sub3A_312 masked %and3A_317 : memref<32x64xi32, #tpu.memory_space<vmem>>[vector<16xi32>, vector<16xi32>], vector<16xi32>, vector<16xi1>
        %reduce_sum3A = arith.constant true
        %reduce_sum3A_343 = vector.broadcast %reduce_sum3A : i1 to vector<16xi1>
        %reduce_sum3A_344 = tpu.scan <sum>, %convert_element_type3A masked %reduce_sum3A_343 : vector<16xi32>, vector<16xi1> -> vector<16xi32>
        %reduce_sum3A_345 = vector.extract %reduce_sum3A_344[15] : i32 from vector<16xi32>
        %add3A_346 = arith.addi %scan3A_304, %reduce_sum3A_345 : i32
        scf.yield %add3A_346 : i32
      }
      %scan3A_290 = arith.constant 128 : i32
      %shift_right_arithmetic3A_291 = arith.constant 6 : i32
      %shift_right_arithmetic3A_292 = arith.shrsi %scan3A_289, %shift_right_arithmetic3A_291 : i32
      %while3A_293 = arith.subi %shift_right_arithmetic3A_292, %scan3A_278 : i32
      %while3A_294 = arith.addi %scan3A_278, %while3A_293 : i32
      %while3A_295 = arith.constant 1 : i32
      %while3A_296 = arith.divsi %while3A_293, %while3A_295 : i32
      %while3A_297 = arith.muli %while3A_296, %while3A_295 : i32
      %while3A_298 = arith.addi %scan3A_278, %while3A_297 : i32
      %while3A_299 = arith.constant 1 : i32
      scf.for %while3A_303 = %scan3A_278 to %while3A_298 step %while3A_299  : i32 {
        %and3A_304 = arith.constant 31 : i32
        %and3A_305 = arith.andi %while3A_303, %and3A_304 : i32
        "tpu.region"() ({
          %run_scoped3A = tpu.sem_alloc : memref<!tpu.dma_semaphore, #tpu.memory_space<semaphore_mem>>
          %dma_start3A = arith.constant 0 : i32
          %dma_start3A_306 = tpu.memref_slice %arg9[%and3A_305, %dma_start3A] : memref<32x64xi32, #tpu.memory_space<vmem>> -> memref<1x64xi32, #tpu.memory_space<vmem>>
          %dma_start3A_307 = tpu.memref_squeeze %dma_start3A_306 : memref<1x64xi32, #tpu.memory_space<vmem>> -> memref<64xi32, #tpu.memory_space<vmem>>
          %dma_start3A_308 = arith.constant 0 : i32
          %dma_start3A_309 = arith.constant 0 : i32
          %dma_start3A_310 = arith.constant 0 : i32
          %dma_start3A_311 = tpu.memref_slice %arg2[%dma_start3A_308, %dma_start3A_309, %dma_start3A_310] : memref<10240x4x128xf32, #tpu.memory_space<hbm>> -> memref<10240x4x128xf32, #tpu.memory_space<hbm>>
          tpu.enqueue_indirect_dma source(%dma_start3A_311 : memref<10240x4x128xf32, #tpu.memory_space<hbm>>) target(%arg11 : memref<64x4x128xf32, #tpu.memory_space<vmem>>) offsets(%dma_start3A_307 : memref<64xi32, #tpu.memory_space<vmem>>) semaphore(%run_scoped3A : memref<!tpu.dma_semaphore, #tpu.memory_space<semaphore_mem>>)
          %dma_wait3A = arith.constant 0 : i32
          %dma_wait3A_312 = tpu.memref_slice %arg9[%and3A_305, %dma_wait3A] : memref<32x64xi32, #tpu.memory_space<vmem>> -> memref<1x64xi32, #tpu.memory_space<vmem>>
          %dma_wait3A_313 = tpu.memref_squeeze %dma_wait3A_312 : memref<1x64xi32, #tpu.memory_space<vmem>> -> memref<64xi32, #tpu.memory_space<vmem>>
          %dma_wait3A_314 = arith.constant 0 : i32
          %dma_wait3A_315 = arith.constant 0 : i32
          %dma_wait3A_316 = arith.constant 0 : i32
          %dma_wait3A_317 = tpu.memref_slice %arg2[%dma_wait3A_314, %dma_wait3A_315, %dma_wait3A_316] : memref<10240x4x128xf32, #tpu.memory_space<hbm>> -> memref<10240x4x128xf32, #tpu.memory_space<hbm>>
          tpu.wait_indirect_dma semaphore(%run_scoped3A : memref<!tpu.dma_semaphore, #tpu.memory_space<semaphore_mem>>) src(%dma_wait3A_317 : memref<10240x4x128xf32, #tpu.memory_space<hbm>>) dst(%arg11 : memref<64x4x128xf32, #tpu.memory_space<vmem>>)
          tpu.yield
        }) : () -> ()
        "tpu.region"() ({
          %run_scoped3A = tpu.sem_alloc : memref<!tpu.dma_semaphore, #tpu.memory_space<semaphore_mem>>
          %dma_start3A = arith.constant 0 : i32
          %dma_start3A_306 = tpu.memref_slice %arg10[%and3A_305, %dma_start3A] : memref<32x64xi32, #tpu.memory_space<vmem>> -> memref<1x64xi32, #tpu.memory_space<vmem>>
          %dma_start3A_307 = tpu.memref_squeeze %dma_start3A_306 : memref<1x64xi32, #tpu.memory_space<vmem>> -> memref<64xi32, #tpu.memory_space<vmem>>
          %dma_start3A_308 = arith.constant 0 : i32
          %dma_start3A_309 = arith.constant 0 : i32
          %dma_start3A_310 = arith.constant 0 : i32
          %dma_start3A_311 = tpu.memref_slice %arg6[%dma_start3A_308, %dma_start3A_309, %dma_start3A_310] : memref<2568x4x128xf32, #tpu.memory_space<vmem_shared>> -> memref<2568x4x128xf32, #tpu.memory_space<vmem_shared>>
          tpu.enqueue_indirect_dma source(%arg11 : memref<64x4x128xf32, #tpu.memory_space<vmem>>) target(%dma_start3A_311 : memref<2568x4x128xf32, #tpu.memory_space<vmem_shared>>) offsets(%dma_start3A_307 : memref<64xi32, #tpu.memory_space<vmem>>) semaphore(%run_scoped3A : memref<!tpu.dma_semaphore, #tpu.memory_space<semaphore_mem>>) {add = true}
          %dma_wait3A = arith.constant 0 : i32
          %dma_wait3A_312 = tpu.memref_slice %arg10[%and3A_305, %dma_wait3A] : memref<32x64xi32, #tpu.memory_space<vmem>> -> memref<1x64xi32, #tpu.memory_space<vmem>>
          %dma_wait3A_313 = tpu.memref_squeeze %dma_wait3A_312 : memref<1x64xi32, #tpu.memory_space<vmem>> -> memref<64xi32, #tpu.memory_space<vmem>>
          %dma_wait3A_314 = arith.constant 0 : i32
          %dma_wait3A_315 = arith.constant 0 : i32
          %dma_wait3A_316 = arith.constant 0 : i32
          %dma_wait3A_317 = tpu.memref_slice %arg6[%dma_wait3A_314, %dma_wait3A_315, %dma_wait3A_316] : memref<2568x4x128xf32, #tpu.memory_space<vmem_shared>> -> memref<2568x4x128xf32, #tpu.memory_space<vmem_shared>>
          tpu.wait_indirect_dma semaphore(%run_scoped3A : memref<!tpu.dma_semaphore, #tpu.memory_space<semaphore_mem>>) src(%arg11 : memref<64x4x128xf32, #tpu.memory_space<vmem>>) dst(%dma_wait3A_317 : memref<2568x4x128xf32, #tpu.memory_space<vmem_shared>>)
          tpu.yield
        }) : () -> ()
      }
      %while3A_300 = arith.constant 1 : i32
      scf.for %while3A_303 = %while3A_298 to %while3A_294 step %while3A_300  : i32 {
        %and3A_304 = arith.constant 31 : i32
        %and3A_305 = arith.andi %while3A_303, %and3A_304 : i32
        "tpu.region"() ({
          %run_scoped3A = tpu.sem_alloc : memref<!tpu.dma_semaphore, #tpu.memory_space<semaphore_mem>>
          %dma_start3A = arith.constant 0 : i32
          %dma_start3A_306 = tpu.memref_slice %arg9[%and3A_305, %dma_start3A] : memref<32x64xi32, #tpu.memory_space<vmem>> -> memref<1x64xi32, #tpu.memory_space<vmem>>
          %dma_start3A_307 = tpu.memref_squeeze %dma_start3A_306 : memref<1x64xi32, #tpu.memory_space<vmem>> -> memref<64xi32, #tpu.memory_space<vmem>>
          %dma_start3A_308 = arith.constant 0 : i32
          %dma_start3A_309 = arith.constant 0 : i32
          %dma_start3A_310 = arith.constant 0 : i32
          %dma_start3A_311 = tpu.memref_slice %arg2[%dma_start3A_308, %dma_start3A_309, %dma_start3A_310] : memref<10240x4x128xf32, #tpu.memory_space<hbm>> -> memref<10240x4x128xf32, #tpu.memory_space<hbm>>
          tpu.enqueue_indirect_dma source(%dma_start3A_311 : memref<10240x4x128xf32, #tpu.memory_space<hbm>>) target(%arg11 : memref<64x4x128xf32, #tpu.memory_space<vmem>>) offsets(%dma_start3A_307 : memref<64xi32, #tpu.memory_space<vmem>>) semaphore(%run_scoped3A : memref<!tpu.dma_semaphore, #tpu.memory_space<semaphore_mem>>)
          %dma_wait3A = arith.constant 0 : i32
          %dma_wait3A_312 = tpu.memref_slice %arg9[%and3A_305, %dma_wait3A] : memref<32x64xi32, #tpu.memory_space<vmem>> -> memref<1x64xi32, #tpu.memory_space<vmem>>
          %dma_wait3A_313 = tpu.memref_squeeze %dma_wait3A_312 : memref<1x64xi32, #tpu.memory_space<vmem>> -> memref<64xi32, #tpu.memory_space<vmem>>
          %dma_wait3A_314 = arith.constant 0 : i32
          %dma_wait3A_315 = arith.constant 0 : i32
          %dma_wait3A_316 = arith.constant 0 : i32
          %dma_wait3A_317 = tpu.memref_slice %arg2[%dma_wait3A_314, %dma_wait3A_315, %dma_wait3A_316] : memref<10240x4x128xf32, #tpu.memory_space<hbm>> -> memref<10240x4x128xf32, #tpu.memory_space<hbm>>
          tpu.wait_indirect_dma semaphore(%run_scoped3A : memref<!tpu.dma_semaphore, #tpu.memory_space<semaphore_mem>>) src(%dma_wait3A_317 : memref<10240x4x128xf32, #tpu.memory_space<hbm>>) dst(%arg11 : memref<64x4x128xf32, #tpu.memory_space<vmem>>)
          tpu.yield
        }) : () -> ()
        "tpu.region"() ({
          %run_scoped3A = tpu.sem_alloc : memref<!tpu.dma_semaphore, #tpu.memory_space<semaphore_mem>>
          %dma_start3A = arith.constant 0 : i32
          %dma_start3A_306 = tpu.memref_slice %arg10[%and3A_305, %dma_start3A] : memref<32x64xi32, #tpu.memory_space<vmem>> -> memref<1x64xi32, #tpu.memory_space<vmem>>
          %dma_start3A_307 = tpu.memref_squeeze %dma_start3A_306 : memref<1x64xi32, #tpu.memory_space<vmem>> -> memref<64xi32, #tpu.memory_space<vmem>>
          %dma_start3A_308 = arith.constant 0 : i32
          %dma_start3A_309 = arith.constant 0 : i32
          %dma_start3A_310 = arith.constant 0 : i32
          %dma_start3A_311 = tpu.memref_slice %arg6[%dma_start3A_308, %dma_start3A_309, %dma_start3A_310] : memref<2568x4x128xf32, #tpu.memory_space<vmem_shared>> -> memref<2568x4x128xf32, #tpu.memory_space<vmem_shared>>
          tpu.enqueue_indirect_dma source(%arg11 : memref<64x4x128xf32, #tpu.memory_space<vmem>>) target(%dma_start3A_311 : memref<2568x4x128xf32, #tpu.memory_space<vmem_shared>>) offsets(%dma_start3A_307 : memref<64xi32, #tpu.memory_space<vmem>>) semaphore(%run_scoped3A : memref<!tpu.dma_semaphore, #tpu.memory_space<semaphore_mem>>) {add = true}
          %dma_wait3A = arith.constant 0 : i32
          %dma_wait3A_312 = tpu.memref_slice %arg10[%and3A_305, %dma_wait3A] : memref<32x64xi32, #tpu.memory_space<vmem>> -> memref<1x64xi32, #tpu.memory_space<vmem>>
          %dma_wait3A_313 = tpu.memref_squeeze %dma_wait3A_312 : memref<1x64xi32, #tpu.memory_space<vmem>> -> memref<64xi32, #tpu.memory_space<vmem>>
          %dma_wait3A_314 = arith.constant 0 : i32
          %dma_wait3A_315 = arith.constant 0 : i32
          %dma_wait3A_316 = arith.constant 0 : i32
          %dma_wait3A_317 = tpu.memref_slice %arg6[%dma_wait3A_314, %dma_wait3A_315, %dma_wait3A_316] : memref<2568x4x128xf32, #tpu.memory_space<vmem_shared>> -> memref<2568x4x128xf32, #tpu.memory_space<vmem_shared>>
          tpu.wait_indirect_dma semaphore(%run_scoped3A : memref<!tpu.dma_semaphore, #tpu.memory_space<semaphore_mem>>) src(%arg11 : memref<64x4x128xf32, #tpu.memory_space<vmem>>) dst(%dma_wait3A_317 : memref<2568x4x128xf32, #tpu.memory_space<vmem_shared>>)
          tpu.yield
        }) : () -> ()
      }
      %shift_right_arithmetic3A_301 = arith.constant 6 : i32
      %shift_right_arithmetic3A_302 = arith.shrsi %scan3A_289, %shift_right_arithmetic3A_301 : i32
      scf.yield %scan3A_289, %shift_right_arithmetic3A_302 : i32, i32
    }
    %scan3A_153 = arith.constant 5 : i32
    %add3A_154 = arith.constant 0 : i32
    %add3A_155 = arith.addi %scan3A_152#0, %add3A_154 : i32
    %add3A_156 = vector.broadcast %add3A_155 : i32 to vector<16xi32>
    %add3A_157 = arith.addi %add3A_156, %iota3A : vector<16xi32>
    %shift_right_arithmetic3A_158 = arith.constant 6 : i32
    %shift_right_arithmetic3A_159 = vector.broadcast %shift_right_arithmetic3A_158 : i32 to vector<16xi32>
    %shift_right_arithmetic3A_160 = arith.shrsi %add3A_157, %shift_right_arithmetic3A_159 : vector<16xi32>
    %and3A_161 = arith.constant 31 : i32
    %and3A_162 = vector.broadcast %and3A_161 : i32 to vector<16xi32>
    %and3A_163 = arith.andi %shift_right_arithmetic3A_160, %and3A_162 : vector<16xi32>
    %and3A_164 = arith.constant 63 : i32
    %and3A_165 = vector.broadcast %and3A_164 : i32 to vector<16xi32>
    %and3A_166 = arith.andi %add3A_157, %and3A_165 : vector<16xi32>
    %broadcast_in_dim3A_167 = arith.constant 0 : i32
    %broadcast_in_dim3A_168 = vector.broadcast %broadcast_in_dim3A_167 : i32 to vector<16xi32>
    tpu.vector_store_idx %arg9[%and3A_163, %and3A_166], %broadcast_in_dim3A_168 : memref<32x64xi32, #tpu.memory_space<vmem>>[vector<16xi32>, vector<16xi32>], vector<16xi32>,
    %shift_right_arithmetic3A_169 = arith.constant 6 : i32
    %shift_right_arithmetic3A_170 = vector.broadcast %shift_right_arithmetic3A_169 : i32 to vector<16xi32>
    %shift_right_arithmetic3A_171 = arith.shrsi %add3A_157, %shift_right_arithmetic3A_170 : vector<16xi32>
    %and3A_172 = arith.constant 31 : i32
    %and3A_173 = vector.broadcast %and3A_172 : i32 to vector<16xi32>
    %and3A_174 = arith.andi %shift_right_arithmetic3A_171, %and3A_173 : vector<16xi32>
    %and3A_175 = arith.constant 63 : i32
    %and3A_176 = vector.broadcast %and3A_175 : i32 to vector<16xi32>
    %and3A_177 = arith.andi %add3A_157, %and3A_176 : vector<16xi32>
    %broadcast_in_dim3A_178 = arith.constant 2560 : i32
    %broadcast_in_dim3A_179 = vector.broadcast %broadcast_in_dim3A_178 : i32 to vector<16xi32>
    tpu.vector_store_idx %arg10[%and3A_174, %and3A_177], %broadcast_in_dim3A_179 : memref<32x64xi32, #tpu.memory_space<vmem>>[vector<16xi32>, vector<16xi32>], vector<16xi32>,
    %add3A_180 = arith.constant 16 : i32
    %add3A_181 = arith.addi %scan3A_152#0, %add3A_180 : i32
    %add3A_182 = vector.broadcast %add3A_181 : i32 to vector<16xi32>
    %add3A_183 = arith.addi %add3A_182, %iota3A : vector<16xi32>
    %shift_right_arithmetic3A_184 = arith.constant 6 : i32
    %shift_right_arithmetic3A_185 = vector.broadcast %shift_right_arithmetic3A_184 : i32 to vector<16xi32>
    %shift_right_arithmetic3A_186 = arith.shrsi %add3A_183, %shift_right_arithmetic3A_185 : vector<16xi32>
    %and3A_187 = arith.constant 31 : i32
    %and3A_188 = vector.broadcast %and3A_187 : i32 to vector<16xi32>
    %and3A_189 = arith.andi %shift_right_arithmetic3A_186, %and3A_188 : vector<16xi32>
    %and3A_190 = arith.constant 63 : i32
    %and3A_191 = vector.broadcast %and3A_190 : i32 to vector<16xi32>
    %and3A_192 = arith.andi %add3A_183, %and3A_191 : vector<16xi32>
    %broadcast_in_dim3A_193 = arith.constant 0 : i32
    %broadcast_in_dim3A_194 = vector.broadcast %broadcast_in_dim3A_193 : i32 to vector<16xi32>
    tpu.vector_store_idx %arg9[%and3A_189, %and3A_192], %broadcast_in_dim3A_194 : memref<32x64xi32, #tpu.memory_space<vmem>>[vector<16xi32>, vector<16xi32>], vector<16xi32>,
    %shift_right_arithmetic3A_195 = arith.constant 6 : i32
    %shift_right_arithmetic3A_196 = vector.broadcast %shift_right_arithmetic3A_195 : i32 to vector<16xi32>
    %shift_right_arithmetic3A_197 = arith.shrsi %add3A_183, %shift_right_arithmetic3A_196 : vector<16xi32>
    %and3A_198 = arith.constant 31 : i32
    %and3A_199 = vector.broadcast %and3A_198 : i32 to vector<16xi32>
    %and3A_200 = arith.andi %shift_right_arithmetic3A_197, %and3A_199 : vector<16xi32>
    %and3A_201 = arith.constant 63 : i32
    %and3A_202 = vector.broadcast %and3A_201 : i32 to vector<16xi32>
    %and3A_203 = arith.andi %add3A_183, %and3A_202 : vector<16xi32>
    %broadcast_in_dim3A_204 = arith.constant 2560 : i32
    %broadcast_in_dim3A_205 = vector.broadcast %broadcast_in_dim3A_204 : i32 to vector<16xi32>
    tpu.vector_store_idx %arg10[%and3A_200, %and3A_203], %broadcast_in_dim3A_205 : memref<32x64xi32, #tpu.memory_space<vmem>>[vector<16xi32>, vector<16xi32>], vector<16xi32>,
    %add3A_206 = arith.constant 32 : i32
    %add3A_207 = arith.addi %scan3A_152#0, %add3A_206 : i32
    %add3A_208 = vector.broadcast %add3A_207 : i32 to vector<16xi32>
    %add3A_209 = arith.addi %add3A_208, %iota3A : vector<16xi32>
    %shift_right_arithmetic3A_210 = arith.constant 6 : i32
    %shift_right_arithmetic3A_211 = vector.broadcast %shift_right_arithmetic3A_210 : i32 to vector<16xi32>
    %shift_right_arithmetic3A_212 = arith.shrsi %add3A_209, %shift_right_arithmetic3A_211 : vector<16xi32>
    %and3A_213 = arith.constant 31 : i32
    %and3A_214 = vector.broadcast %and3A_213 : i32 to vector<16xi32>
    %and3A_215 = arith.andi %shift_right_arithmetic3A_212, %and3A_214 : vector<16xi32>
    %and3A_216 = arith.constant 63 : i32
    %and3A_217 = vector.broadcast %and3A_216 : i32 to vector<16xi32>
    %and3A_218 = arith.andi %add3A_209, %and3A_217 : vector<16xi32>
    %broadcast_in_dim3A_219 = arith.constant 0 : i32
    %broadcast_in_dim3A_220 = vector.broadcast %broadcast_in_dim3A_219 : i32 to vector<16xi32>
    tpu.vector_store_idx %arg9[%and3A_215, %and3A_218], %broadcast_in_dim3A_220 : memref<32x64xi32, #tpu.memory_space<vmem>>[vector<16xi32>, vector<16xi32>], vector<16xi32>,
    %shift_right_arithmetic3A_221 = arith.constant 6 : i32
    %shift_right_arithmetic3A_222 = vector.broadcast %shift_right_arithmetic3A_221 : i32 to vector<16xi32>
    %shift_right_arithmetic3A_223 = arith.shrsi %add3A_209, %shift_right_arithmetic3A_222 : vector<16xi32>
    %and3A_224 = arith.constant 31 : i32
    %and3A_225 = vector.broadcast %and3A_224 : i32 to vector<16xi32>
    %and3A_226 = arith.andi %shift_right_arithmetic3A_223, %and3A_225 : vector<16xi32>
    %and3A_227 = arith.constant 63 : i32
    %and3A_228 = vector.broadcast %and3A_227 : i32 to vector<16xi32>
    %and3A_229 = arith.andi %add3A_209, %and3A_228 : vector<16xi32>
    %broadcast_in_dim3A_230 = arith.constant 2560 : i32
    %broadcast_in_dim3A_231 = vector.broadcast %broadcast_in_dim3A_230 : i32 to vector<16xi32>
    tpu.vector_store_idx %arg10[%and3A_226, %and3A_229], %broadcast_in_dim3A_231 : memref<32x64xi32, #tpu.memory_space<vmem>>[vector<16xi32>, vector<16xi32>], vector<16xi32>,
    %add3A_232 = arith.constant 48 : i32
    %add3A_233 = arith.addi %scan3A_152#0, %add3A_232 : i32
    %add3A_234 = vector.broadcast %add3A_233 : i32 to vector<16xi32>
    %add3A_235 = arith.addi %add3A_234, %iota3A : vector<16xi32>
    %shift_right_arithmetic3A_236 = arith.constant 6 : i32
    %shift_right_arithmetic3A_237 = vector.broadcast %shift_right_arithmetic3A_236 : i32 to vector<16xi32>
    %shift_right_arithmetic3A_238 = arith.shrsi %add3A_235, %shift_right_arithmetic3A_237 : vector<16xi32>
    %and3A_239 = arith.constant 31 : i32
    %and3A_240 = vector.broadcast %and3A_239 : i32 to vector<16xi32>
    %and3A_241 = arith.andi %shift_right_arithmetic3A_238, %and3A_240 : vector<16xi32>
    %and3A_242 = arith.constant 63 : i32
    %and3A_243 = vector.broadcast %and3A_242 : i32 to vector<16xi32>
    %and3A_244 = arith.andi %add3A_235, %and3A_243 : vector<16xi32>
    %broadcast_in_dim3A_245 = arith.constant 0 : i32
    %broadcast_in_dim3A_246 = vector.broadcast %broadcast_in_dim3A_245 : i32 to vector<16xi32>
    tpu.vector_store_idx %arg9[%and3A_241, %and3A_244], %broadcast_in_dim3A_246 : memref<32x64xi32, #tpu.memory_space<vmem>>[vector<16xi32>, vector<16xi32>], vector<16xi32>,
    %shift_right_arithmetic3A_247 = arith.constant 6 : i32
    %shift_right_arithmetic3A_248 = vector.broadcast %shift_right_arithmetic3A_247 : i32 to vector<16xi32>
    %shift_right_arithmetic3A_249 = arith.shrsi %add3A_235, %shift_right_arithmetic3A_248 : vector<16xi32>
    %and3A_250 = arith.constant 31 : i32
    %and3A_251 = vector.broadcast %and3A_250 : i32 to vector<16xi32>
    %and3A_252 = arith.andi %shift_right_arithmetic3A_249, %and3A_251 : vector<16xi32>
    %and3A_253 = arith.constant 63 : i32
    %and3A_254 = vector.broadcast %and3A_253 : i32 to vector<16xi32>
    %and3A_255 = arith.andi %add3A_235, %and3A_254 : vector<16xi32>
    %broadcast_in_dim3A_256 = arith.constant 2560 : i32
    %broadcast_in_dim3A_257 = vector.broadcast %broadcast_in_dim3A_256 : i32 to vector<16xi32>
    tpu.vector_store_idx %arg10[%and3A_252, %and3A_255], %broadcast_in_dim3A_257 : memref<32x64xi32, #tpu.memory_space<vmem>>[vector<16xi32>, vector<16xi32>], vector<16xi32>,
    %add3A_258 = arith.constant 63 : i32
    %add3A_259 = arith.addi %scan3A_152#0, %add3A_258 : i32
    %shift_right_arithmetic3A_260 = arith.constant 6 : i32
    %shift_right_arithmetic3A_261 = arith.shrsi %add3A_259, %shift_right_arithmetic3A_260 : i32
    %while3A_262 = arith.subi %shift_right_arithmetic3A_261, %scan3A_152#1 : i32
    %while3A_263 = arith.addi %scan3A_152#1, %while3A_262 : i32
    %while3A_264 = arith.constant 1 : i32
    %while3A_265 = arith.divsi %while3A_262, %while3A_264 : i32
    %while3A_266 = arith.muli %while3A_265, %while3A_264 : i32
    %while3A_267 = arith.addi %scan3A_152#1, %while3A_266 : i32
    %while3A_268 = arith.constant 1 : i32
    scf.for %while3A_276 = %scan3A_152#1 to %while3A_267 step %while3A_268  : i32 {
      %and3A_277 = arith.constant 31 : i32
      %and3A_278 = arith.andi %while3A_276, %and3A_277 : i32
      "tpu.region"() ({
        %run_scoped3A = tpu.sem_alloc : memref<!tpu.dma_semaphore, #tpu.memory_space<semaphore_mem>>
        %dma_start3A = arith.constant 0 : i32
        %dma_start3A_279 = tpu.memref_slice %arg9[%and3A_278, %dma_start3A] : memref<32x64xi32, #tpu.memory_space<vmem>> -> memref<1x64xi32, #tpu.memory_space<vmem>>
        %dma_start3A_280 = tpu.memref_squeeze %dma_start3A_279 : memref<1x64xi32, #tpu.memory_space<vmem>> -> memref<64xi32, #tpu.memory_space<vmem>>
        %dma_start3A_281 = arith.constant 0 : i32
        %dma_start3A_282 = arith.constant 0 : i32
        %dma_start3A_283 = arith.constant 0 : i32
        %dma_start3A_284 = tpu.memref_slice %arg2[%dma_start3A_281, %dma_start3A_282, %dma_start3A_283] : memref<10240x4x128xf32, #tpu.memory_space<hbm>> -> memref<10240x4x128xf32, #tpu.memory_space<hbm>>
        tpu.enqueue_indirect_dma source(%dma_start3A_284 : memref<10240x4x128xf32, #tpu.memory_space<hbm>>) target(%arg11 : memref<64x4x128xf32, #tpu.memory_space<vmem>>) offsets(%dma_start3A_280 : memref<64xi32, #tpu.memory_space<vmem>>) semaphore(%run_scoped3A : memref<!tpu.dma_semaphore, #tpu.memory_space<semaphore_mem>>)
        %dma_wait3A = arith.constant 0 : i32
        %dma_wait3A_285 = tpu.memref_slice %arg9[%and3A_278, %dma_wait3A] : memref<32x64xi32, #tpu.memory_space<vmem>> -> memref<1x64xi32, #tpu.memory_space<vmem>>
        %dma_wait3A_286 = tpu.memref_squeeze %dma_wait3A_285 : memref<1x64xi32, #tpu.memory_space<vmem>> -> memref<64xi32, #tpu.memory_space<vmem>>
        %dma_wait3A_287 = arith.constant 0 : i32
        %dma_wait3A_288 = arith.constant 0 : i32
        %dma_wait3A_289 = arith.constant 0 : i32
        %dma_wait3A_290 = tpu.memref_slice %arg2[%dma_wait3A_287, %dma_wait3A_288, %dma_wait3A_289] : memref<10240x4x128xf32, #tpu.memory_space<hbm>> -> memref<10240x4x128xf32, #tpu.memory_space<hbm>>
        tpu.wait_indirect_dma semaphore(%run_scoped3A : memref<!tpu.dma_semaphore, #tpu.memory_space<semaphore_mem>>) src(%dma_wait3A_290 : memref<10240x4x128xf32, #tpu.memory_space<hbm>>) dst(%arg11 : memref<64x4x128xf32, #tpu.memory_space<vmem>>)
        tpu.yield
      }) : () -> ()
      "tpu.region"() ({
        %run_scoped3A = tpu.sem_alloc : memref<!tpu.dma_semaphore, #tpu.memory_space<semaphore_mem>>
        %dma_start3A = arith.constant 0 : i32
        %dma_start3A_279 = tpu.memref_slice %arg10[%and3A_278, %dma_start3A] : memref<32x64xi32, #tpu.memory_space<vmem>> -> memref<1x64xi32, #tpu.memory_space<vmem>>
        %dma_start3A_280 = tpu.memref_squeeze %dma_start3A_279 : memref<1x64xi32, #tpu.memory_space<vmem>> -> memref<64xi32, #tpu.memory_space<vmem>>
        %dma_start3A_281 = arith.constant 0 : i32
        %dma_start3A_282 = arith.constant 0 : i32
        %dma_start3A_283 = arith.constant 0 : i32
        %dma_start3A_284 = tpu.memref_slice %arg6[%dma_start3A_281, %dma_start3A_282, %dma_start3A_283] : memref<2568x4x128xf32, #tpu.memory_space<vmem_shared>> -> memref<2568x4x128xf32, #tpu.memory_space<vmem_shared>>
        tpu.enqueue_indirect_dma source(%arg11 : memref<64x4x128xf32, #tpu.memory_space<vmem>>) target(%dma_start3A_284 : memref<2568x4x128xf32, #tpu.memory_space<vmem_shared>>) offsets(%dma_start3A_280 : memref<64xi32, #tpu.memory_space<vmem>>) semaphore(%run_scoped3A : memref<!tpu.dma_semaphore, #tpu.memory_space<semaphore_mem>>) {add = true}
        %dma_wait3A = arith.constant 0 : i32
        %dma_wait3A_285 = tpu.memref_slice %arg10[%and3A_278, %dma_wait3A] : memref<32x64xi32, #tpu.memory_space<vmem>> -> memref<1x64xi32, #tpu.memory_space<vmem>>
        %dma_wait3A_286 = tpu.memref_squeeze %dma_wait3A_285 : memref<1x64xi32, #tpu.memory_space<vmem>> -> memref<64xi32, #tpu.memory_space<vmem>>
        %dma_wait3A_287 = arith.constant 0 : i32
        %dma_wait3A_288 = arith.constant 0 : i32
        %dma_wait3A_289 = arith.constant 0 : i32
        %dma_wait3A_290 = tpu.memref_slice %arg6[%dma_wait3A_287, %dma_wait3A_288, %dma_wait3A_289] : memref<2568x4x128xf32, #tpu.memory_space<vmem_shared>> -> memref<2568x4x128xf32, #tpu.memory_space<vmem_shared>>
        tpu.wait_indirect_dma semaphore(%run_scoped3A : memref<!tpu.dma_semaphore, #tpu.memory_space<semaphore_mem>>) src(%arg11 : memref<64x4x128xf32, #tpu.memory_space<vmem>>) dst(%dma_wait3A_290 : memref<2568x4x128xf32, #tpu.memory_space<vmem_shared>>)
        tpu.yield
      }) : () -> ()
    }
    %while3A_269 = arith.constant 1 : i32
    scf.for %while3A_276 = %while3A_267 to %while3A_263 step %while3A_269  : i32 {
      %and3A_277 = arith.constant 31 : i32
      %and3A_278 = arith.andi %while3A_276, %and3A_277 : i32
      "tpu.region"() ({
        %run_scoped3A = tpu.sem_alloc : memref<!tpu.dma_semaphore, #tpu.memory_space<semaphore_mem>>
        %dma_start3A = arith.constant 0 : i32
        %dma_start3A_279 = tpu.memref_slice %arg9[%and3A_278, %dma_start3A] : memref<32x64xi32, #tpu.memory_space<vmem>> -> memref<1x64xi32, #tpu.memory_space<vmem>>
        %dma_start3A_280 = tpu.memref_squeeze %dma_start3A_279 : memref<1x64xi32, #tpu.memory_space<vmem>> -> memref<64xi32, #tpu.memory_space<vmem>>
        %dma_start3A_281 = arith.constant 0 : i32
        %dma_start3A_282 = arith.constant 0 : i32
        %dma_start3A_283 = arith.constant 0 : i32
        %dma_start3A_284 = tpu.memref_slice %arg2[%dma_start3A_281, %dma_start3A_282, %dma_start3A_283] : memref<10240x4x128xf32, #tpu.memory_space<hbm>> -> memref<10240x4x128xf32, #tpu.memory_space<hbm>>
        tpu.enqueue_indirect_dma source(%dma_start3A_284 : memref<10240x4x128xf32, #tpu.memory_space<hbm>>) target(%arg11 : memref<64x4x128xf32, #tpu.memory_space<vmem>>) offsets(%dma_start3A_280 : memref<64xi32, #tpu.memory_space<vmem>>) semaphore(%run_scoped3A : memref<!tpu.dma_semaphore, #tpu.memory_space<semaphore_mem>>)
        %dma_wait3A = arith.constant 0 : i32
        %dma_wait3A_285 = tpu.memref_slice %arg9[%and3A_278, %dma_wait3A] : memref<32x64xi32, #tpu.memory_space<vmem>> -> memref<1x64xi32, #tpu.memory_space<vmem>>
        %dma_wait3A_286 = tpu.memref_squeeze %dma_wait3A_285 : memref<1x64xi32, #tpu.memory_space<vmem>> -> memref<64xi32, #tpu.memory_space<vmem>>
        %dma_wait3A_287 = arith.constant 0 : i32
        %dma_wait3A_288 = arith.constant 0 : i32
        %dma_wait3A_289 = arith.constant 0 : i32
        %dma_wait3A_290 = tpu.memref_slice %arg2[%dma_wait3A_287, %dma_wait3A_288, %dma_wait3A_289] : memref<10240x4x128xf32, #tpu.memory_space<hbm>> -> memref<10240x4x128xf32, #tpu.memory_space<hbm>>
        tpu.wait_indirect_dma semaphore(%run_scoped3A : memref<!tpu.dma_semaphore, #tpu.memory_space<semaphore_mem>>) src(%dma_wait3A_290 : memref<10240x4x128xf32, #tpu.memory_space<hbm>>) dst(%arg11 : memref<64x4x128xf32, #tpu.memory_space<vmem>>)
        tpu.yield
      }) : () -> ()
      "tpu.region"() ({
        %run_scoped3A = tpu.sem_alloc : memref<!tpu.dma_semaphore, #tpu.memory_space<semaphore_mem>>
        %dma_start3A = arith.constant 0 : i32
        %dma_start3A_279 = tpu.memref_slice %arg10[%and3A_278, %dma_start3A] : memref<32x64xi32, #tpu.memory_space<vmem>> -> memref<1x64xi32, #tpu.memory_space<vmem>>
        %dma_start3A_280 = tpu.memref_squeeze %dma_start3A_279 : memref<1x64xi32, #tpu.memory_space<vmem>> -> memref<64xi32, #tpu.memory_space<vmem>>
        %dma_start3A_281 = arith.constant 0 : i32
        %dma_start3A_282 = arith.constant 0 : i32
        %dma_start3A_283 = arith.constant 0 : i32
        %dma_start3A_284 = tpu.memref_slice %arg6[%dma_start3A_281, %dma_start3A_282, %dma_start3A_283] : memref<2568x4x128xf32, #tpu.memory_space<vmem_shared>> -> memref<2568x4x128xf32, #tpu.memory_space<vmem_shared>>
        tpu.enqueue_indirect_dma source(%arg11 : memref<64x4x128xf32, #tpu.memory_space<vmem>>) target(%dma_start3A_284 : memref<2568x4x128xf32, #tpu.memory_space<vmem_shared>>) offsets(%dma_start3A_280 : memref<64xi32, #tpu.memory_space<vmem>>) semaphore(%run_scoped3A : memref<!tpu.dma_semaphore, #tpu.memory_space<semaphore_mem>>) {add = true}
        %dma_wait3A = arith.constant 0 : i32
        %dma_wait3A_285 = tpu.memref_slice %arg10[%and3A_278, %dma_wait3A] : memref<32x64xi32, #tpu.memory_space<vmem>> -> memref<1x64xi32, #tpu.memory_space<vmem>>
        %dma_wait3A_286 = tpu.memref_squeeze %dma_wait3A_285 : memref<1x64xi32, #tpu.memory_space<vmem>> -> memref<64xi32, #tpu.memory_space<vmem>>
        %dma_wait3A_287 = arith.constant 0 : i32
        %dma_wait3A_288 = arith.constant 0 : i32
        %dma_wait3A_289 = arith.constant 0 : i32
        %dma_wait3A_290 = tpu.memref_slice %arg6[%dma_wait3A_287, %dma_wait3A_288, %dma_wait3A_289] : memref<2568x4x128xf32, #tpu.memory_space<vmem_shared>> -> memref<2568x4x128xf32, #tpu.memory_space<vmem_shared>>
        tpu.wait_indirect_dma semaphore(%run_scoped3A : memref<!tpu.dma_semaphore, #tpu.memory_space<semaphore_mem>>) src(%arg11 : memref<64x4x128xf32, #tpu.memory_space<vmem>>) dst(%dma_wait3A_290 : memref<2568x4x128xf32, #tpu.memory_space<vmem_shared>>)
        tpu.yield
      }) : () -> ()
    }
    %barrier3A_270 = arith.constant 0 : index
    tpu.barrier barrier_id(%barrier3A_270)
    %mul3A_271 = arith.constant 160 : i32
    %mul3A_272 = arith.muli %arg1, %mul3A_271 : i32
    %mul3A_273 = arith.constant 160 : i32
    %mul3A_274 = arith.muli %arg1, %mul3A_273 : i32
    %add3A_275 = arith.addi %mul3A_137, %mul3A_274 : i32
    "tpu.region"() ({
      %run_scoped3A = tpu.sem_alloc : memref<!tpu.dma_semaphore, #tpu.memory_space<semaphore_mem>>
      %dma_start3A = arith.constant 0 : i32
      %dma_start3A_276 = arith.constant 0 : i32
      %dma_start3A_277 = tpu.memref_slice %arg5[%add3A_275, %dma_start3A, %dma_start3A_276] : memref<10240x4x128xf32, #tpu.memory_space<hbm>> -> memref<160x4x128xf32, #tpu.memory_space<hbm>>
      %dma_start3A_278 = arith.constant 0 : i32
      %dma_start3A_279 = arith.constant 0 : i32
      %dma_start3A_280 = tpu.memref_slice %arg6[%mul3A_272, %dma_start3A_278, %dma_start3A_279] : memref<2568x4x128xf32, #tpu.memory_space<vmem_shared>> -> memref<160x4x128xf32, #tpu.memory_space<vmem_shared>>
      tpu.enqueue_dma source(%dma_start3A_280 : memref<160x4x128xf32, #tpu.memory_space<vmem_shared>>) target(%dma_start3A_277 : memref<160x4x128xf32, #tpu.memory_space<hbm>>) target_semaphore(%run_scoped3A : memref<!tpu.dma_semaphore, #tpu.memory_space<semaphore_mem>>)
      %dma_wait3A = arith.constant 0 : i32
      %dma_wait3A_281 = arith.constant 0 : i32
      %dma_wait3A_282 = tpu.memref_slice %arg5[%add3A_275, %dma_wait3A, %dma_wait3A_281] : memref<10240x4x128xf32, #tpu.memory_space<hbm>> -> memref<160x4x128xf32, #tpu.memory_space<hbm>>
      %dma_wait3A_283 = arith.constant 0 : i32
      %dma_wait3A_284 = arith.constant 0 : i32
      %dma_wait3A_285 = tpu.memref_slice %arg6[%mul3A_272, %dma_wait3A_283, %dma_wait3A_284] : memref<2568x4x128xf32, #tpu.memory_space<vmem_shared>> -> memref<160x4x128xf32, #tpu.memory_space<vmem_shared>>
      tpu.wait_dma2 semaphore(%run_scoped3A : memref<!tpu.dma_semaphore, #tpu.memory_space<semaphore_mem>>) src(%dma_wait3A_285 : memref<160x4x128xf32, #tpu.memory_space<vmem_shared>>) dst(%dma_wait3A_282 : memref<160x4x128xf32, #tpu.memory_space<hbm>>)
      tpu.yield
    }) : () -> ()
    return
  }
}

module attributes {stable_mosaic.version = 14 : i64} {
  func.func @_matmul_body(%arg0: i32, %arg1: memref<2048x512xf32, #tpu.memory_space<vmem>>, %arg2: memref<512x512xf32, #tpu.memory_space<vmem>>, %arg3: memref<2048x512xf32, #tpu.memory_space<vmem>>) attributes {dimension_semantics = [#tpu.dimension_semantics<arbitrary>], iteration_bounds = array<i64: 5>, scalar_prefetch = 0 : i64, scratch_operands = 0 : i64, tpu.core_type = #tpu.core_type<tc>, window_params = [{transform_indices = @transform_0, window_bounds = array<i64: 2048, 512>}, {pipeline_mode = #tpu.pipeline_mode<synchronous>, transform_indices = @transform_1, window_bounds = array<i64: 512, 512>}, {transform_indices = @transform_2, window_bounds = array<i64: 2048, 512>}]} {
    %get3A = arith.constant 0 : index
    %get3A_0 = arith.constant 0 : index
    %get3A_1 = vector.load %arg1[%get3A, %get3A_0] : memref<2048x512xf32, #tpu.memory_space<vmem>>, vector<2048x512xf32>
    %get3A_2 = arith.constant 0 : index
    %get3A_3 = arith.constant 0 : index
    %get3A_4 = vector.load %arg2[%get3A_2, %get3A_3] : memref<512x512xf32, #tpu.memory_space<vmem>>, vector<512x512xf32>
    %dot_general3A = arith.constant dense<0.000000e+00> : vector<2048x512xf32>
    %dot_general3A_5 = tpu.matmul %get3A_1, %get3A_4, %dot_general3A {dimension_numbers = #tpu.dot_dimension_numbers<[1], [0], [0], [1], [0, 0, 1, 1], [], []>, precision = #tpu.contract_precision<fp32>, transpose_lhs_hint = false} : vector<2048x512xf32>, vector<512x512xf32>, vector<2048x512xf32> -> vector<2048x512xf32>
    %swap3A = arith.constant 0 : index
    %swap3A_6 = arith.constant 0 : index
    %swap3A_7 = vector.load %arg3[%swap3A, %swap3A_6] : memref<2048x512xf32, #tpu.memory_space<vmem>>, vector<2048x512xf32>
    tpu.vector_store %arg3[%swap3A, %swap3A_6], %dot_general3A_5 {strides = array<i32>} : memref<2048x512xf32, #tpu.memory_space<vmem>>, vector<2048x512xf32>,
    return
  }
  func.func @transform_0(%arg0: i32) -> (i32, i32) {
    %c0_i32 = arith.constant 0 : i32
    %c0_i32_0 = arith.constant 0 : i32
    return %arg0, %c0_i32 : i32, i32
  }
  func.func @transform_1(%arg0: i32) -> (i32, i32) {
    %c0_i32 = arith.constant 0 : i32
    %c0_i32_0 = arith.constant 0 : i32
    %c0_i32_1 = arith.constant 0 : i32
    return %c0_i32, %c0_i32_0 : i32, i32
  }
  func.func @transform_2(%arg0: i32) -> (i32, i32) {
    %c0_i32 = arith.constant 0 : i32
    %c0_i32_0 = arith.constant 0 : i32
    return %arg0, %c0_i32 : i32, i32
  }
}

module attributes {stable_mosaic.version = 14 : i64} {
  func.func @_scale_body(%arg0: i32, %arg1: memref<2048x512xf32, #tpu.memory_space<vmem>>, %arg2: memref<32x2048xf32, #tpu.memory_space<vmem>>, %arg3: memref<2048x512xf32, #tpu.memory_space<vmem>>, %arg4: memref<2048x1xf32, #tpu.memory_space<vmem>>) attributes {dimension_semantics = [#tpu.dimension_semantics<arbitrary>], iteration_bounds = array<i64: 5>, scalar_prefetch = 0 : i64, scratch_operands = 0 : i64, tpu.core_type = #tpu.core_type<tc>, window_params = [{transform_indices = @transform_0, window_bounds = array<i64: 2048, 512>}, {transform_indices = @transform_1, window_bounds = array<i64: 32, 2048>}, {transform_indices = @transform_2, window_bounds = array<i64: 2048, 512>}, {transform_indices = @transform_3, window_bounds = array<i64: 2048, 1>}]} {
    %get3A = arith.constant 0 : index
    %get3A_0 = arith.constant 0 : index
    %get3A_1 = vector.load %arg2[%get3A, %get3A_0] : memref<32x2048xf32, #tpu.memory_space<vmem>>, vector<32x2048xf32>
    %reduce_sum3A = arith.constant dense<0.000000e+00> : vector<2048xf32>
    %reduce_sum3A_2 = vector.multi_reduction <add>, %get3A_1, %reduce_sum3A [0] : vector<32x2048xf32> to vector<2048xf32>
    %add3A = arith.constant 1.000000e+00 : f32
    %add3A_3 = vector.broadcast %add3A : f32 to vector<2048xf32>
    %add3A_4 = arith.addf %reduce_sum3A_2, %add3A_3 : vector<2048xf32>
    %rsqrt3A = math.rsqrt %add3A_4 : vector<2048xf32>
    %reshape3A = vector.shape_cast %rsqrt3A : vector<2048xf32> to vector<2048x1xf32>
    %swap3A = arith.constant 0 : index
    %swap3A_5 = arith.constant 0 : index
    %swap3A_6 = vector.load %arg4[%swap3A, %swap3A_5] : memref<2048x1xf32, #tpu.memory_space<vmem>>, vector<2048x1xf32>
    tpu.vector_store %arg4[%swap3A, %swap3A_5], %reshape3A {strides = array<i32>} : memref<2048x1xf32, #tpu.memory_space<vmem>>, vector<2048x1xf32>,
    %get3A_7 = arith.constant 0 : index
    %get3A_8 = arith.constant 0 : index
    %get3A_9 = vector.load %arg1[%get3A_7, %get3A_8] : memref<2048x512xf32, #tpu.memory_space<vmem>>, vector<2048x512xf32>
    %mul3A = vector.broadcast %reshape3A : vector<2048x1xf32> to vector<2048x512xf32>
    %mul3A_10 = arith.mulf %get3A_9, %mul3A : vector<2048x512xf32>
    %swap3A_11 = arith.constant 0 : index
    %swap3A_12 = arith.constant 0 : index
    %swap3A_13 = vector.load %arg3[%swap3A_11, %swap3A_12] : memref<2048x512xf32, #tpu.memory_space<vmem>>, vector<2048x512xf32>
    tpu.vector_store %arg3[%swap3A_11, %swap3A_12], %mul3A_10 {strides = array<i32>} : memref<2048x512xf32, #tpu.memory_space<vmem>>, vector<2048x512xf32>,
    return
  }
  func.func @transform_0(%arg0: i32) -> (i32, i32) {
    %c0_i32 = arith.constant 0 : i32
    %c0_i32_0 = arith.constant 0 : i32
    return %arg0, %c0_i32 : i32, i32
  }
  func.func @transform_1(%arg0: i32) -> (i32, i32) {
    %c0_i32 = arith.constant 0 : i32
    %c0_i32_0 = arith.constant 0 : i32
    return %c0_i32, %arg0 : i32, i32
  }
  func.func @transform_2(%arg0: i32) -> (i32, i32) {
    %c0_i32 = arith.constant 0 : i32
    %c0_i32_0 = arith.constant 0 : i32
    return %arg0, %c0_i32 : i32, i32
  }
  func.func @transform_3(%arg0: i32) -> (i32, i32) {
    %c0_i32 = arith.constant 0 : i32
    %c0_i32_0 = arith.constant 0 : i32
    return %arg0, %c0_i32 : i32, i32
  }
}

module attributes {stable_mosaic.version = 14 : i64} {
  func.func @_bn_stats_body(%arg0: i32, %arg1: memref<2000x512xf32, #tpu.memory_space<vmem>>, %arg2: memref<2000x1xf32, #tpu.memory_space<vmem>>, %arg3: memref<512xf32, #tpu.memory_space<vmem>>, %arg4: memref<2x512xf32, #tpu.memory_space<vmem>>) attributes {dimension_semantics = [#tpu.dimension_semantics<arbitrary>], iteration_bounds = array<i64: 5>, scalar_prefetch = 0 : i64, scratch_operands = 0 : i64, tpu.core_type = #tpu.core_type<tc>, window_params = [{transform_indices = @transform_0, window_bounds = array<i64: 2000, 512>}, {transform_indices = @transform_1, window_bounds = array<i64: 2000, 1>}, {pipeline_mode = #tpu.pipeline_mode<synchronous>, transform_indices = @transform_2, window_bounds = array<i64: 512>}, {pipeline_mode = #tpu.pipeline_mode<synchronous>, transform_indices = @transform_3, window_bounds = array<i64: 2, 512>}]} {
    %get3A = arith.constant 0 : index
    %get3A_0 = arith.constant 0 : index
    %get3A_1 = vector.load %arg1[%get3A, %get3A_0] : memref<2000x512xf32, #tpu.memory_space<vmem>>, vector<2000x512xf32>
    %get3A_2 = arith.constant 0 : index
    %get3A_3 = arith.constant 0 : index
    %get3A_4 = vector.load %arg2[%get3A_2, %get3A_3] : memref<2000x1xf32, #tpu.memory_space<vmem>>, vector<2000x1xf32>
    %mul3A = vector.broadcast %get3A_4 : vector<2000x1xf32> to vector<2000x512xf32>
    %mul3A_5 = arith.mulf %get3A_1, %mul3A : vector<2000x512xf32>
    %get3A_6 = arith.constant 0 : index
    %get3A_7 = vector.load %arg3[%get3A_6] : memref<512xf32, #tpu.memory_space<vmem>>, vector<512xf32>
    %reshape3A = vector.shape_cast %get3A_7 : vector<512xf32> to vector<1x512xf32>
    %add3A = vector.broadcast %reshape3A : vector<1x512xf32> to vector<2000x512xf32>
    %add3A_8 = arith.addf %mul3A_5, %add3A : vector<2000x512xf32>
    %reduce_sum3A = arith.constant dense<0.000000e+00> : vector<512xf32>
    %reduce_sum3A_9 = vector.multi_reduction <add>, %add3A_8, %reduce_sum3A [0] : vector<2000x512xf32> to vector<512xf32>
    %broadcast_in_dim3A = vector.shape_cast %reduce_sum3A_9 : vector<512xf32> to vector<1x512xf32>
    %mul3A_10 = arith.mulf %add3A_8, %add3A_8 : vector<2000x512xf32>
    %reduce_sum3A_11 = arith.constant dense<0.000000e+00> : vector<512xf32>
    %reduce_sum3A_12 = vector.multi_reduction <add>, %mul3A_10, %reduce_sum3A_11 [0] : vector<2000x512xf32> to vector<512xf32>
    %broadcast_in_dim3A_13 = vector.shape_cast %reduce_sum3A_12 : vector<512xf32> to vector<1x512xf32>
    %concatenate3A = tpu.concatenate %broadcast_in_dim3A, %broadcast_in_dim3A_13 in 0 : vector<1x512xf32>, vector<1x512xf32> -> vector<2x512xf32>
    %eq3A = arith.constant 0 : i32
    %eq3A_14 = arith.cmpi eq, %arg0, %eq3A : i32
    %convert_element_type3A = arith.extui %eq3A_14 : i1 to i32
    %cond3A = arith.constant 0 : i32
    %cond3A_15 = arith.cmpi ne, %convert_element_type3A, %cond3A : i32
    scf.if %cond3A_15 {
      %swap3A = arith.constant 0 : index
      %swap3A_20 = arith.constant 0 : index
      %swap3A_21 = vector.load %arg4[%swap3A, %swap3A_20] : memref<2x512xf32, #tpu.memory_space<vmem>>, vector<2x512xf32>
      tpu.vector_store %arg4[%swap3A, %swap3A_20], %concatenate3A {strides = array<i32>} : memref<2x512xf32, #tpu.memory_space<vmem>>, vector<2x512xf32>,
    } else {
    }
    %gt3A = arith.constant 0 : i32
    %gt3A_16 = arith.cmpi sgt, %arg0, %gt3A : i32
    %convert_element_type3A_17 = arith.extui %gt3A_16 : i1 to i32
    %cond3A_18 = arith.constant 0 : i32
    %cond3A_19 = arith.cmpi ne, %convert_element_type3A_17, %cond3A_18 : i32
    scf.if %cond3A_19 {
      %get3A_20 = arith.constant 0 : index
      %get3A_21 = arith.constant 0 : index
      %get3A_22 = vector.load %arg4[%get3A_20, %get3A_21] : memref<2x512xf32, #tpu.memory_space<vmem>>, vector<2x512xf32>
      %add3A_23 = arith.addf %get3A_22, %concatenate3A : vector<2x512xf32>
      %swap3A = arith.constant 0 : index
      %swap3A_24 = arith.constant 0 : index
      %swap3A_25 = vector.load %arg4[%swap3A, %swap3A_24] : memref<2x512xf32, #tpu.memory_space<vmem>>, vector<2x512xf32>
      tpu.vector_store %arg4[%swap3A, %swap3A_24], %add3A_23 {strides = array<i32>} : memref<2x512xf32, #tpu.memory_space<vmem>>, vector<2x512xf32>,
    } else {
    }
    return
  }
  func.func @transform_0(%arg0: i32) -> (i32, i32) {
    %c0_i32 = arith.constant 0 : i32
    %c0_i32_0 = arith.constant 0 : i32
    return %arg0, %c0_i32 : i32, i32
  }
  func.func @transform_1(%arg0: i32) -> (i32, i32) {
    %c0_i32 = arith.constant 0 : i32
    %c0_i32_0 = arith.constant 0 : i32
    return %arg0, %c0_i32 : i32, i32
  }
  func.func @transform_2(%arg0: i32) -> i32 {
    %c0_i32 = arith.constant 0 : i32
    %c0_i32_0 = arith.constant 0 : i32
    return %c0_i32 : i32
  }
  func.func @transform_3(%arg0: i32) -> (i32, i32) {
    %c0_i32 = arith.constant 0 : i32
    %c0_i32_0 = arith.constant 0 : i32
    %c0_i32_1 = arith.constant 0 : i32
    return %c0_i32, %c0_i32_0 : i32, i32
  }
}

module attributes {stable_mosaic.version = 14 : i64} {
  func.func @_bn_apply_body(%arg0: i32, %arg1: memref<2000x512xf32, #tpu.memory_space<vmem>>, %arg2: memref<2000x1xf32, #tpu.memory_space<vmem>>, %arg3: memref<512xf32, #tpu.memory_space<vmem>>, %arg4: memref<512xf32, #tpu.memory_space<vmem>>, %arg5: memref<512xf32, #tpu.memory_space<vmem>>, %arg6: memref<2x512xf32, #tpu.memory_space<vmem>>, %arg7: memref<2000x512xf32, #tpu.memory_space<vmem>>) attributes {dimension_semantics = [#tpu.dimension_semantics<arbitrary>], iteration_bounds = array<i64: 5>, scalar_prefetch = 0 : i64, scratch_operands = 0 : i64, tpu.core_type = #tpu.core_type<tc>, window_params = [{transform_indices = @transform_0, window_bounds = array<i64: 2000, 512>}, {transform_indices = @transform_1, window_bounds = array<i64: 2000, 1>}, {pipeline_mode = #tpu.pipeline_mode<synchronous>, transform_indices = @transform_2, window_bounds = array<i64: 512>}, {pipeline_mode = #tpu.pipeline_mode<synchronous>, transform_indices = @transform_3, window_bounds = array<i64: 512>}, {pipeline_mode = #tpu.pipeline_mode<synchronous>, transform_indices = @transform_4, window_bounds = array<i64: 512>}, {pipeline_mode = #tpu.pipeline_mode<synchronous>, transform_indices = @transform_5, window_bounds = array<i64: 2, 512>}, {transform_indices = @transform_6, window_bounds = array<i64: 2000, 512>}]} {
    %get3A = arith.constant 0 : index
    %get3A_0 = arith.constant 0 : index
    %get3A_1 = vector.load %arg1[%get3A, %get3A_0] : memref<2000x512xf32, #tpu.memory_space<vmem>>, vector<2000x512xf32>
    %get3A_2 = arith.constant 0 : index
    %get3A_3 = arith.constant 0 : index
    %get3A_4 = vector.load %arg2[%get3A_2, %get3A_3] : memref<2000x1xf32, #tpu.memory_space<vmem>>, vector<2000x1xf32>
    %mul3A = vector.broadcast %get3A_4 : vector<2000x1xf32> to vector<2000x512xf32>
    %mul3A_5 = arith.mulf %get3A_1, %mul3A : vector<2000x512xf32>
    %get3A_6 = arith.constant 0 : index
    %get3A_7 = vector.load %arg3[%get3A_6] : memref<512xf32, #tpu.memory_space<vmem>>, vector<512xf32>
    %reshape3A = vector.shape_cast %get3A_7 : vector<512xf32> to vector<1x512xf32>
    %add3A = vector.broadcast %reshape3A : vector<1x512xf32> to vector<2000x512xf32>
    %add3A_8 = arith.addf %mul3A_5, %add3A : vector<2000x512xf32>
    %get3A_9 = arith.constant 0 : index
    %get3A_10 = arith.constant 0 : index
    %get3A_11 = vector.load %arg6[%get3A_9, %get3A_10] : memref<2x512xf32, #tpu.memory_space<vmem>>, vector<1x512xf32>
    %get3A_12 = vector.shape_cast %get3A_11 : vector<1x512xf32> to vector<512xf32>
    %reshape3A_13 = vector.shape_cast %get3A_12 : vector<512xf32> to vector<1x512xf32>
    %div3A = arith.constant 1.000000e+04 : f32
    %div3A_14 = vector.broadcast %div3A : f32 to vector<1x512xf32>
    %div3A_15 = arith.divf %reshape3A_13, %div3A_14 : vector<1x512xf32>
    %get3A_16 = arith.constant 1 : index
    %get3A_17 = arith.constant 0 : index
    %get3A_18 = vector.load %arg6[%get3A_16, %get3A_17] : memref<2x512xf32, #tpu.memory_space<vmem>>, vector<1x512xf32>
    %get3A_19 = vector.shape_cast %get3A_18 : vector<1x512xf32> to vector<512xf32>
    %reshape3A_20 = vector.shape_cast %get3A_19 : vector<512xf32> to vector<1x512xf32>
    %div3A_21 = arith.constant 1.000000e+04 : f32
    %div3A_22 = vector.broadcast %div3A_21 : f32 to vector<1x512xf32>
    %div3A_23 = arith.divf %reshape3A_20, %div3A_22 : vector<1x512xf32>
    %mul3A_24 = arith.mulf %div3A_15, %div3A_15 : vector<1x512xf32>
    %sub3A = arith.subf %div3A_23, %mul3A_24 : vector<1x512xf32>
    %sub3A_25 = vector.broadcast %div3A_15 : vector<1x512xf32> to vector<2000x512xf32>
    %sub3A_26 = arith.subf %add3A_8, %sub3A_25 : vector<2000x512xf32>
    %add3A_27 = arith.constant 9.99999974E-6 : f32
    %add3A_28 = vector.broadcast %add3A_27 : f32 to vector<1x512xf32>
    %add3A_29 = arith.addf %sub3A, %add3A_28 : vector<1x512xf32>
    %rsqrt3A = math.rsqrt %add3A_29 : vector<1x512xf32>
    %mul3A_30 = vector.broadcast %rsqrt3A : vector<1x512xf32> to vector<2000x512xf32>
    %mul3A_31 = arith.mulf %sub3A_26, %mul3A_30 : vector<2000x512xf32>
    %get3A_32 = arith.constant 0 : index
    %get3A_33 = vector.load %arg4[%get3A_32] : memref<512xf32, #tpu.memory_space<vmem>>, vector<512xf32>
    %reshape3A_34 = vector.shape_cast %get3A_33 : vector<512xf32> to vector<1x512xf32>
    %mul3A_35 = vector.broadcast %reshape3A_34 : vector<1x512xf32> to vector<2000x512xf32>
    %mul3A_36 = arith.mulf %mul3A_35, %mul3A_31 : vector<2000x512xf32>
    %get3A_37 = arith.constant 0 : index
    %get3A_38 = vector.load %arg5[%get3A_37] : memref<512xf32, #tpu.memory_space<vmem>>, vector<512xf32>
    %reshape3A_39 = vector.shape_cast %get3A_38 : vector<512xf32> to vector<1x512xf32>
    %add3A_40 = vector.broadcast %reshape3A_39 : vector<1x512xf32> to vector<2000x512xf32>
    %add3A_41 = arith.addf %mul3A_36, %add3A_40 : vector<2000x512xf32>
    %max3A = arith.constant 0.000000e+00 : f32
    %max3A_42 = vector.broadcast %max3A : f32 to vector<2000x512xf32>
    %max3A_43 = arith.maximumf %add3A_41, %max3A_42 : vector<2000x512xf32>
    %swap3A = arith.constant 0 : index
    %swap3A_44 = arith.constant 0 : index
    %swap3A_45 = vector.load %arg7[%swap3A, %swap3A_44] : memref<2000x512xf32, #tpu.memory_space<vmem>>, vector<2000x512xf32>
    tpu.vector_store %arg7[%swap3A, %swap3A_44], %max3A_43 {strides = array<i32>} : memref<2000x512xf32, #tpu.memory_space<vmem>>, vector<2000x512xf32>,
    return
  }
  func.func @transform_0(%arg0: i32) -> (i32, i32) {
    %c0_i32 = arith.constant 0 : i32
    %c0_i32_0 = arith.constant 0 : i32
    return %arg0, %c0_i32 : i32, i32
  }
  func.func @transform_1(%arg0: i32) -> (i32, i32) {
    %c0_i32 = arith.constant 0 : i32
    %c0_i32_0 = arith.constant 0 : i32
    return %arg0, %c0_i32 : i32, i32
  }
  func.func @transform_2(%arg0: i32) -> i32 {
    %c0_i32 = arith.constant 0 : i32
    %c0_i32_0 = arith.constant 0 : i32
    return %c0_i32 : i32
  }
  func.func @transform_3(%arg0: i32) -> i32 {
    %c0_i32 = arith.constant 0 : i32
    %c0_i32_0 = arith.constant 0 : i32
    return %c0_i32 : i32
  }
  func.func @transform_4(%arg0: i32) -> i32 {
    %c0_i32 = arith.constant 0 : i32
    %c0_i32_0 = arith.constant 0 : i32
    return %c0_i32 : i32
  }
  func.func @transform_5(%arg0: i32) -> (i32, i32) {
    %c0_i32 = arith.constant 0 : i32
    %c0_i32_0 = arith.constant 0 : i32
    %c0_i32_1 = arith.constant 0 : i32
    return %c0_i32, %c0_i32_0 : i32, i32
  }
  func.func @transform_6(%arg0: i32) -> (i32, i32) {
    %c0_i32 = arith.constant 0 : i32
    %c0_i32_0 = arith.constant 0 : i32
    return %arg0, %c0_i32 : i32, i32
  }
}

</mosaic_0001>

<sc_bundles>
// kernel: kernel.11.cloned.1.call-start
scs
__scs_entry_jumppad:
0x0: {  	(pc) =	sbr.rel $0x88, $3  }
0x1: {  	(tag) =	ssettag $0x0;
	lr =	simm.s32 $0x1  }
0x2: {  	[smem:$0x3F9B] =	sst lr;
	_ =	strace $0xD0000000  }
0x3: {  	_ = 	snop  }
0x4: {  	_ = 	snop  }
0x5: {  	_ = 	snop  }
0x6: {  	_ = 	snop  }
0x7: {  	_ = 	snop  }
__scs_overlays_trampoline_lowered:
0x8: {  	[smem:$0x3FAA] =	sst s0  }
0x9: {  	[smem:$0x3FAB] =	sst s1  }
0xa: {  	[smem:$0x3FAC] =	sst s2  }
0xb: {  	[smem:$0x3FAD] =	sst s3  }
0xc: {  	[smem:$0x3FAE] =	sst s4  }
0xd: {  	[smem:$0x3FAF] =	sst s5  }
0xe: {  	[smem:$0x3FB0] =	sst s6  }
0xf: {  	[smem:$0x3FB1] =	sst s7  }
0x10: {  	[smem:$0x3FB2] =	sst s8  }
0x11: {  	[smem:$0x3FB3] =	sst s9;
	s0 =	simm.s32 @!p0 $0x0  }
0x12: {  	s1 =	sld [smem:$0x3F99];
	s0 =	simm.s32 @p0 $0x1  }
0x13: {  	[smem:$0x3FB4] =	sst s0;
	s0 =	simm.s32 @!p1 $0x0  }
0x14: {  	s2 =	sld [smem:$0x3F98];
	s0 =	simm.s32 @p1 $0x1  }
0x15: {  	[smem:$0x3FB5] =	sst s0;
	s0 =	simm.s32 @!p2 $0x0  }
0x16: {  	s3 =	sld [smem:$0x3FDB];
	s0 =	simm.s32 @p2 $0x1  }
0x17: {  	s4 =	simm.s32 $0x1BF5;
	[smem:$0x3FB7] =	sst s0  }
0x18: {  	s0 =	sld [smem:$0x3F9A];
	_ =	swait.ge [sflag:s4], $0x0  }
0x19: {  	s7 =	sld [smem:$0x3F9B]  }
0x1a: {  	s8 =	sadd.s32 $0xFFFFE003, lr  }
0x1b: {  	s9 =	sadd.s32 $0xFFFFFEF7, lr;
	s5 =	simm.s32 $0xFFFFFFFF;
	p2 =	slt.u32 s8, $0xFFFFF086  }
0x1c: {  	p1 =	slt.u32 s9, $0xF7A;
	s5 =	simm.s32 @!p2 $0x0  }
0x1d: {  	s5 =	simm.s32 @p1 $0x1;
	p0 =	seq.s32 s7, s2  }
0x1e: {  	s7 =	smul.u32 @!p0 $0xF7A, s2;
	p2 =	seq.s32 @!p0 s5, $0x0  }
0x1f: {  	s9 =	smul.u32 $0xF7A, s1;
	s8 =	simm.s32 @!p0 $0x1BF5;
	p2 =	por !p2, p0  }
0x20: {  	[sflag:s8] =	ssyncset.s32 @!p0 $0xFFFFF086;
	s6 =	sadd.s32 @!p0 s3, s7;
	s7 =	simm.s32 @!p0 $0x108  }
0x21: {  	s3 =	sadd.s32 s3, s9;
	s6 =	sadd.s32 @!p0 $0x88, s6;
	s7 =	simm.s32 @p2 $0x1082  }
0x22: {  	[simem:s7], [sflag:s8] =	dma.local @!p0 [hbm:s6], $0xF7A  }
0x23: {  	s9 =	sor.u32 $0xD0000000, s2;
	s6 =	simm.s32 $0x108;
	_ =	swait.ge @!p0 [sflag:s8], $0x0  }
0x24: {  	s3 =	sadd.s32 $0x88, s3;
	s6 =	simm.s32 @!p1 $0x1082;
	[sflag:s4] =	ssyncset.s32 $0xFFFFF086  }
0x25: {  	[simem:s6], [sflag:s4] =	dma.local [hbm:s3], $0xF7A  }
0x26: {  	[smem:$0x3F9B] =	sst s1;
	(tag) =	ssettag s2;
	_ =	strace s9  }
0x27: {  	s1 =	sld [smem:$0x3FAB]  }
0x28: {  	s2 =	sld [smem:$0x3FAC]  }
0x29: {  	s4 =	sld [smem:$0x3FAE]  }
0x2a: {  	p0 =	seq.s32 s5, $0x0;
	s5 =	sld [smem:$0x3FAF]  }
0x2b: {  	s6 =	sld [smem:$0x3FB0]  }
0x2c: {  	s7 =	sld [smem:$0x3FB1]  }
0x2d: {  	s3 =	simm.s32 $0x108;
	s8 =	sld [smem:$0x3FB2]  }
0x2e: {  	s3 =	simm.s32 @!p0 $0x1082;
	s9 =	sld [smem:$0x3FB3]  }
0x2f: {  	lr =	sadd.s32 s0, s3;
	s0 =	sld [smem:$0x3FAA]  }
0x30: {  	s3 =	sld [smem:$0x3FAD]  }
0x31: {  	[smem:$0x3FB6] =	sst s10  }
0x32: {  	s10 =	sld [smem:$0x3FB4];
	_ =	sdelay $0x3  }
0x33: {  	p0 =	seq.s32 s10, $0x1;
	s10 =	sld [smem:$0x3FB6];
	_ =	sdelay $0x3  }
0x34: {  	[smem:$0x3FB6] =	sst s10  }
0x35: {  	s10 =	sld [smem:$0x3FB5];
	_ =	sdelay $0x3  }
0x36: {  	p1 =	seq.s32 s10, $0x1;
	s10 =	sld [smem:$0x3FB6];
	_ =	sdelay $0x3  }
0x37: {  	[smem:$0x3FB6] =	sst s10  }
0x38: {  	s10 =	sld [smem:$0x3FB7]  }
0x39: {  	_ = 	snop;
	(pc) =	sbr.ind lr, $3  }
0x3a: {  	_ = 	snop  }
0x3b: {  	_ = 	snop  }
0x3c: {  	p2 =	seq.s32 s10, $0x1;
	s10 =	sld [smem:$0x3FB6]  }
0x3d: {  	_ =	shalt  }
0x3e: {  	_ =	shalt  }
0x3f: {  	_ =	shalt  }
0x40: {  	_ =	shalt  }
0x41: {  	_ =	shalt  }
0x42: {  	_ =	shalt  }
0x43: {  	_ =	shalt  }
0x44: {  	_ =	shalt  }
0x45: {  	_ =	shalt  }
0x46: {  	_ =	shalt  }
0x47: {  	_ =	shalt  }
0x48: {  	_ =	shalt  }
0x49: {  	_ =	shalt  }
0x4a: {  	_ =	shalt  }
0x4b: {  	_ =	shalt  }
0x4c: {  	_ =	shalt  }
0x4d: {  	_ =	shalt  }
0x4e: {  	_ =	shalt  }
0x4f: {  	_ =	shalt  }
0x50: {  	_ =	shalt  }
0x51: {  	_ =	shalt  }
0x52: {  	_ =	shalt  }
0x53: {  	_ =	shalt  }
0x54: {  	_ =	shalt  }
0x55: {  	_ =	shalt  }
0x56: {  	_ =	shalt  }
0x57: {  	_ =	shalt  }
0x58: {  	_ =	shalt  }
0x59: {  	_ =	shalt  }
0x5a: {  	_ =	shalt  }
0x5b: {  	_ =	shalt  }
0x5c: {  	_ =	shalt  }
0x5d: {  	_ =	shalt  }
0x5e: {  	_ =	shalt  }
0x5f: {  	_ =	shalt  }
0x60: {  	_ =	shalt  }
0x61: {  	_ =	shalt  }
0x62: {  	_ =	shalt  }
0x63: {  	_ =	shalt  }
0x64: {  	_ =	shalt  }
0x65: {  	_ =	shalt  }
0x66: {  	_ =	shalt  }
0x67: {  	_ =	shalt  }
0x68: {  	_ =	shalt  }
0x69: {  	_ =	shalt  }
0x6a: {  	_ =	shalt  }
0x6b: {  	_ =	shalt  }
0x6c: {  	_ =	shalt  }
0x6d: {  	_ =	shalt  }
0x6e: {  	_ =	shalt  }
0x6f: {  	_ =	shalt  }
0x70: {  	_ =	shalt  }
0x71: {  	_ =	shalt  }
0x72: {  	_ =	shalt  }
0x73: {  	_ =	shalt  }
0x74: {  	_ =	shalt  }
0x75: {  	_ =	shalt  }
0x76: {  	_ =	shalt  }
0x77: {  	_ =	shalt  }
0x78: {  	_ =	shalt  }
0x79: {  	_ =	shalt  }
0x7a: {  	_ =	shalt  }
0x7b: {  	_ =	shalt  }
0x7c: {  	_ =	shalt  }
0x7d: {  	_ =	shalt  }
0x7e: {  	_ =	shalt  }
0x7f: {  	_ =	shalt  }
0x80: {  	_ =	shalt  }
0x81: {  	_ =	shalt  }
0x82: {  	_ =	shalt  }
0x83: {  	_ =	shalt  }
0x84: {  	_ =	shalt  }
0x85: {  	_ =	shalt  }
0x86: {  	_ =	shalt  }
0x87: {  	_ =	shalt  }
.Lfunc_end0:
.L_simem_size_0:
called_computation.1_lowered:
.L_overlay_start_0:
0x88: {  	s2 =	sld [smem:$0x3FD9]  }
0x89: {  	s3 =	sld [smem:$0x3FFE];
	_ =	sdelay $0x1  }
0x8a: {  	s1 =	srdreg.scid  }
0x8b: {  	s0 =	sand.u32 $0x1, s1  }
0x8c: {  	s16 =	sshll.u32 s0, $0xA;
	s2 =	sadd.s32 s3, s2  }
0x8d: {  	s2 =	sadd.s32 s2, s16  }
0x8e: {  	[smem:$0x3FC2] =	sst s2  }
0x8f: {  	_ = 	snop  }
0x90: {  	(tm) =	ssettm $0x1  }
0x91: {  	s17 =	sld [smem:$0x3FFB];
	_ =	sdelay $0x3  }
0x92: {  	_ =	strace s17  }
0x93: {  	s2 =	sld [smem:$0x3FFC];
	_ =	sdelay $0x3  }
0x94: {  	_ =	strace s2  }
0x95: {  	s2 =	sld [smem:$0x3FFD];
	_ =	sdelay $0x3  }
0x96: {  	_ =	strace s2  }
0x97: {  	_ =	strace $0x8FFFFFFF  }
0x98: {  	s18 =	sld [smem:$0x3FDB];
	_ =	sdelay $0x1  }
0x99: {  	s19 =	simm.s32 $_scs_section_size  }
0x9a: {  	s4 =	simm.s32 $_size__tile_overlayer_lowered;
	s5 =	simm.s32 $_tile_overlayer_lowered  }
0x9b: {  	s22 =	simm.s32 $0x1BFF;
	s21 =	sshll.u32 s5, $0x1;
	s2 =	sadd.s32 s19, s18  }
0x9c: {  	s6 =	simm.s32 $0x0;
	s20 =	sshll.u32 s4, $0x1;
	s4 =	sadd.s32 s21, s2  }
0x9d: {  	[timem:s6], [sflag:s22] =	dma.local [hbm:s4], s20  }
0x9e: {  	_ =	swait.ge [sflag:s22], s20  }
0x9f: {  	s3 =	ssub.s32 $0x0, s20;
	[sflag:s22] =	ssyncset.done $0x0  }
0xa0: {  	[sflag:s22] =	ssyncadd.s32 s3;
	_ =	sdelay $0x1  }
0xa1: {  	s23 =	simm.s32 $0x1B8B  }
0xa2: {  	_ =	swait.ge [sflag:s23], $0x1  }
0xa3: {  	[sflag:s23] =	ssyncset.done $0x0  }
0xa4: {  	s25 =	simm.s32 $0x1B8E;
	s24 =	sld [smem:$0x3FFE];
	[sflag:s23] =	ssyncadd.s32 $0xFFFFFFFF  }
0xa5: {  	s26 =	simm.s32 $execute0_lowered;
	[smem:$0x3FD2] =	sst s25  }
0xa6: {  	s4 =	sshll.u32 s26, $0x1;
	_ =	strace $0x80000049;
	[dreg:$0x1] =	wrdreg $0xFFFFFFFF  }
0xa7: {  	s28 =	simm.s32 $_size_execute0_lowered;
	s2 =	sadd.s32 s2, s4;
	[dreg:$0x0] =	wrdreg $0x0  }
0xa8: {  	s4 =	sshll.u32 s28, $0x1;
	[dreg:$0x2] =	wrdreg s2  }
0xa9: {  	[dreg:$0x3] =	wrdreg s4  }
0xaa: {  	[dreg:$0x4] =	wrdreg $0xC0  }
0xab: {  	_ =	task [dreg:s6], $0x5FFFF  }
0xac: {  	[dreg:$0x1] =	wrdreg $0xFFFFFFFF  }
0xad: {  	[dreg:$0x0] =	wrdreg $0x60  }
0xae: {  	[dreg:$0x2] =	wrdreg s24  }
0xaf: {  	[dreg:$0x3] =	wrdreg $0x0  }
0xb0: {  	[dreg:$0x4] =	wrdreg $0x9  }
0xb1: {  	_ =	task.clear_ibuf [dreg:s6], $0x5FFFF;
	_ =	strace $0x90000049  }
0xb2: {  	s29 =	simm.s32 $0x9;
	_ =	strace $0x8000004B  }
0xb3: {  	_ =	swait.ge [sflag:s29], $0x1  }
0xb4: {  	[sflag:s29] =	ssyncadd.s32 $0xFFFFFFFF  }
0xb5: {  	_ =	strace $0x9000004B  }
0xb6: {  	_ =	sfence  }
0xb7: {  	s30 =	sld [smem:$0x0];
	_ =	sdelay $0x2  }
0xb8: {  	s31 =	sshll.u32 s1, $0xD;
	s1 =	sshrl.u32 s1, $0x2  }
0xb9: {  	s3 =	sand.u32 $0x4000, s31;
	s1 =	sadd.s32 s1, s30  }
0xba: {  	s0 =	sor.u32 s3, s0;
	s1 =	sshll.u32 s1, $0x11  }
0xbb: {  	s0 =	sor.u32 s1, s0  }
0xbc: {  	s0 =	sadd.s32 $0x8F2B, s0  }
0xbd: {  	[sflag:s0] =	ssyncadd.remote.s32 $0x1  }
0xbe: {  	_ =	sfence.sel $0xFFFF  }
0xbf: {  	[dreg:$0x0] =	wrdreg $0xFFFFFFFF;
	(pc) =	sbr.abs _section_cstart, $3  }
0xc0: {  	[dreg:$0x1] =	wrdreg $0xFFFFFFFF  }
0xc1: {  	_ =	task.clear_ibuf [dreg:s6], $0x2FFFF;
	_ =	strace $0x9FFFFFFF  }
0xc2: {  	(tm) =	ssettm $0x7FFFFFFF  }
0xc3: {  	_ =	shalt  }
tec
execute0_lowered:
.L_overlay_start_1:
0x0: {  	(tag) =	ssettag $0x1  }
0x1: {  	s7 =	rddreg [dreg:$0x0]  }
0x2: {  	s1 =	rddreg [dreg:$0x1]  }
0x3: {  	s0 =	rddreg [dreg:$0x2];
	s3 =	simm.s32 $0x0  }
0x4: {  	s2 =	srdreg.scid;
	s18 =	simm.s32 $0x15100;
	s19 =	simm.s32 $0x16100  }
0x5: {  	s20 =	simm.s32 $0x40;
	s21 =	simm.s32 $0x17100;
	[smem:$0x7FF] =	sst s3  }
0x6: {  	s6 =	sand.u32 $0x1, s2;
	s2 =	stileid.u32;
	s4 =	sadd.s32 $0x5E00, s7  }
0x7: {  	s5 =	sadd.s32 $0xA6400, s7;
	s12 =	sadd.s32 $0xAB400, s7;
	s16 =	smul.u32 $0xA00, s6  }
0x8: {  	_ =	strace $0x8000004A;
	s9 =	ssub.s32 $0x2, s6;
	s10 =	smul.u32 $0x50000, s2  }
0x9: {  	s8 =	smul.u32 $0xA0, s2;
	s6 =	sadd.s32 $0xE00, s7;
	s26 =	sshrl.u32 s9, $0x1  }
0xa: {  	s31 =	sshll.u32 s2, $0x6;
	s13 =	ssub.s32 s9, s26;
	s28 =	sshrl.u32 s10, $0x2  }
0xb: {  	s29 =	sadd.s32 s8, s16;
	s17 =	sadd.s32 $0x1400, s16;
	s9 =	smul.u32 $0x2800, s2  }
.Ltmp0:
0xc: {  	v0 =	vmov s16;
	s16 =	simm.s32 $0x14100;
	s14 =	sadd.s32 s28, s1;
	(pc) =	sbr.rel .LBB2_1-.Ltmp0, $4  }
0xd: {  	s30 =	sshll.u32 s29, $0x6;
	s11 =	sadd.s32 s8, s17;
	s8 =	sor.u32 $0x1C01, s31  }
0xe: {  	s13 =	smax.u32 s13, $0x1;
	v1 =	vmov s17;
	s17 =	simm.s32 $0x14900;
	s7 =	sadd.s32 s4, s30  }
0xf: {  	s15 =	sshll.u32 s11, $0x6;
	s10 =	sadd.s32 s12, s30;
	s14 =	sshrl.u32 s14, $0x3  }
0x10: {  	v2 =	vimm.s32 $0x0;
	v3 =	vlaneseq.u32;
	v4 =	vimm.s32 $0xA00;
	s11 =	sadd.s32 s4, s15;
	s12 =	sadd.s32 s12, s15;
	s15 =	simm.s32 $0x1  }
.LBB2_28:
0x11: {  	s23 =	sadd.s32 $0x15100, s22;
	[sflag:s15] =	ssyncadd.s32 @p0 $0xFFFF8000  }
0x12: {  	[tilespmem:s21], [sflag:$0x1] =	stream.indirect.gather [hbm4b:s4+s20], $0x200, s23, s20, $0xb8;
	[tilespmem:$0x1F100] =	vst v63  }
0x13: {  	_ =	swait.ge [sflag:s15], $0x8000  }
0x14: {  	[sflag:s15] =	ssyncset.done $0x0  }
0x15: {  	s31 =	sadd.s32 $0x16100, s22;
	[sflag:s15] =	ssyncadd.s32 $0xFFFF8000  }
0x16: {  	[spmem:s1] =	stream.indirect.scatter.add.f32 [tilespmem:s21], [sflag:$0x1], $0x200, s31, s20, $0xb8;
	[tilespmem:$0x1F100] =	vst v63  }
0x17: {  	_ =	swait.ge [sflag:s15], $0x8000  }
0x18: {  	[sflag:s15] =	ssyncset.done $0x0  }
0x19: {  	[sflag:s15] =	ssyncadd.s32 $0xFFFF8000  }
.LBB2_29:
0x1a: {  	s3 =	sadd.s32 $0x1, s3  }
0x1b: {  	p0 =	sne.s32 s3, s13  }
.Ltmp1:
0x1c: {  	[bflag:$0x0] =	sbarrier.arrive $0xFFFF;
	(pc) =	sbr.rel @!p0 .LBB2_30-.Ltmp1, $4  }
0x1d: {  	[hbm:s12], [sflag:s8] =	dma.local [spmem:s14], $0x2800  }
0x1e: {  	_ =	swait.ge [sflag:s15], $0x2800  }
0x1f: {  	[sflag:s15] =	ssyncset.done $0x0  }
0x20: {  	[sflag:s15] =	ssyncadd.s32 $0xFFFFD800  }
.LBB2_1:
0x21: {  	[spmem:s14], [sflag:s8] =	dma.local [hbm:s7], $0x2800  }
.Ltmp2:
0x22: {  	_ =	swait.ge [sflag:s15], $0x2800;
	(pc) =	sbr.rel .LBB2_2-.Ltmp2, $4  }
0x23: {  	[sflag:s15] =	ssyncset.done $0x0  }
0x24: {  	[sflag:s15] =	ssyncadd.s32 $0xFFFFD800  }
0x25: {  	[bflag:$0x0] =	sbarrier.arrive $0xFFFF  }
0x26: {  	s24 =	simm.s32 $0x0;
	s22 =	simm.s32 $0x0;
	s23 =	simm.s32 $0x0  }
.LBB2_8:
0x27: {  	s26 =	sadd.s32 $0x15100, s25;
	[sflag:s15] =	ssyncadd.s32 @p0 $0xFFFF8000  }
0x28: {  	[tilespmem:s21], [sflag:$0x1] =	stream.indirect.gather [hbm4b:s4+s20], $0x200, s26, s20, $0xb8;
	[tilespmem:$0x1F100] =	vst v63  }
0x29: {  	_ =	swait.ge [sflag:s15], $0x8000  }
0x2a: {  	[sflag:s15] =	ssyncset.done $0x0  }
0x2b: {  	s31 =	sadd.s32 $0x16100, s25;
	[sflag:s15] =	ssyncadd.s32 $0xFFFF8000  }
0x2c: {  	[spmem:s1] =	stream.indirect.scatter.add.f32 [tilespmem:s21], [sflag:$0x1], $0x200, s31, s20, $0xb8;
	[tilespmem:$0x1F100] =	vst v63  }
0x2d: {  	_ =	swait.ge [sflag:s15], $0x8000  }
0x2e: {  	[sflag:s15] =	ssyncset.done $0x0  }
0x2f: {  	[sflag:s15] =	ssyncadd.s32 $0xFFFF8000  }
.LBB2_9:
0x30: {  	s23 =	sadd.s32 $0x1, s23  }
0x31: {  	p0 =	sne.s32 s23, $0x5  }
.Ltmp3:
0x32: {  	_ = 	snop;
	(pc) =	sbr.rel @!p0 .LBB2_10-.Ltmp3, $1  }
0x33: {  	_ =	sdelay $0x3  }
.LBB2_2:
0x34: {  	s25 =	sshll.u32 s23, $0xB  }
0x35: {  	s25 =	sadd.s32 s9, s25  }
0x36: {  	s25 =	sshrl.u32 s25, $0x3  }
0x37: {  	s28 =	simm.s32 $0x0;
	s26 =	sadd.s32 s5, s25  }
0x38: {  	[tilespmem:s16], [sflag:$0x1] =	stream.linear.gather [hbm4b:s26+s28], $0x800, $0x38;
	[tilespmem:$0x1F100] =	vst v63  }
0x39: {  	_ =	swait.ge [sflag:s15], $0x800  }
0x3a: {  	[sflag:s15] =	ssyncset.done $0x0  }
0x3b: {  	s25 =	sadd.s32 s6, s25;
	[sflag:s15] =	ssyncadd.s32 $0xFFFFF800  }
0x3c: {  	[tilespmem:s17], [sflag:$0x1] =	stream.linear.gather [hbm4b:s25+s28], $0x800, $0x38;
	[tilespmem:$0x1F100] =	vst v63  }
0x3d: {  	_ =	swait.ge [sflag:s15], $0x800  }
0x3e: {  	[sflag:s15] =	ssyncset.done $0x0  }
0x3f: {  	s31 =	simm.s32 $0x0;
	[sflag:s15] =	ssyncadd.s32 $0xFFFFF800  }
0x40: {  	v5 =	vld [tilespmem:s31+$0x14900];
	_ =	sdelay $0x4  }
0x41: {  	v5 =	vsub.s32 v5, v0  }
0x42: {  	vm0 =	vlt.u32 v5, $0xA00  }
0x43: {  	v6 =	vsel vm0, $0x1, v2  }
0x44: {  	(xrf0) =	vadd.scan.msk.s32 $0xffff, v6;
	_ =	sdelay $0x2  }
0x45: {  	v6 =	vmov s22  }
0x46: {  	v6 =	vadd.s32 $0xFFFFFFFF, v6  }
0x47: {  	v6 =	vbroadcast v6, $0x0  }
0x48: {  	v7, _, _ =	vpop (xrf0)  }
0x49: {  	v6 =	vadd.s32 v7, v6;
	(v2sf) =	vpush v7, $0xF  }
0x4a: {  	v8 =	vshll.u32 v6, $0x1  }
0x4b: {  	v6 =	vand.u32 $0x3F, v6;
	v8 =	vand.u32 $0xF80, v8  }
0x4c: {  	v63 =	vld [tilespmem:s31+$0x14100];
	v6 =	vor.u32 v6, v8;
	_ =	sdelay $0x4  }
0x4d: {  	[tilespmem:v6+s18+$0x0] =	vst.idx.msk vm0, v63  }
0x4e: {  	s26 =	simm.s32 $0x80;
	s25 =	smov.u32 s24;
	s24 =	simm.s32 $0x10;
	[tilespmem:v6+s19+$0x0] =	vst.idx.msk vm0, v5  }
.LBB2_3:
0x4f: {  	p0 =	sne.s32 s26, $0x1FC0;
	v5 =	vld [tilespmem:s24+$0x14900];
	_ =	sdelay $0x4  }
0x50: {  	v5 =	vsub.s32 v5, v0;
	s28 =	spop (v2sf)  }
0x51: {  	vm0 =	vlt.u32 v5, $0xA00;
	s22 =	sadd.s32 s22, s28  }
0x52: {  	v6 =	vsel vm0, $0x1, v2;
	v7 =	vmov s22  }
0x53: {  	v7 =	vadd.s32 $0xFFFFFFFF, v7;
	(xrf0) =	vadd.scan.msk.s32 $0xffff, v6  }
0x54: {  	v6 =	vbroadcast v7, $0x0;
	_ =	sdelay $0x4  }
0x55: {  	v7, _, _ =	vpop (xrf0)  }
0x56: {  	v6 =	vadd.s32 v7, v6;
	(v2sf) =	vpush v7, $0xF  }
0x57: {  	v7 =	vand.u32 $0x3F, v6;
	v6 =	vshll.u32 v6, $0x1  }
0x58: {  	v6 =	vand.u32 $0xF80, v6  }
0x59: {  	v8 =	vld [tilespmem:s24+$0x14100];
	v6 =	vor.u32 v7, v6;
	_ =	sdelay $0x1  }
.Ltmp4:
0x5a: {  	(pc) =	sbr.rel @p0 .LBB2_3-.Ltmp4, $3  }
0x5b: {  	_ =	sdelay $0x1  }
0x5c: {  	[tilespmem:v6+s18+$0x0] =	vst.idx.msk vm0, v8  }
0x5d: {  	s24 =	sshra.s32 s26, $0x2;
	s26 =	sadd.s32 $0x40, s26;
	[tilespmem:v6+s19+$0x0] =	vst.idx.msk vm0, v5  }
0x5e: {  	v5 =	vld [tilespmem:s24+$0x14900];
	_ =	sdelay $0x4  }
0x5f: {  	v5 =	vsub.s32 v5, v0  }
0x60: {  	vm0 =	vlt.u32 v5, $0xA00  }
0x61: {  	v6 =	vsel vm0, $0x1, v2  }
0x62: {  	(xrf0) =	vadd.scan.msk.s32 $0xffff, v6;
	_ =	sdelay $0x5  }
0x63: {  	v6, _, _ =	vpop (xrf0)  }
0x64: {  	(v2sf) =	vpush v6, $0xF;
	_ =	sdelay $0x7  }
0x65: {  	s26 =	spop (v2sf)  }
0x66: {  	s22 =	sadd.s32 s22, s26  }
0x67: {  	v7 =	vmov s22  }
0x68: {  	v7 =	vadd.s32 $0xFFFFFFFF, v7  }
0x69: {  	v7 =	vbroadcast v7, $0x0;
	_ =	sdelay $0x1  }
0x6a: {  	v6 =	vadd.s32 v6, v7  }
0x6b: {  	v7 =	vshll.u32 v6, $0x1;
	s31 =	spop (v2sf)  }
0x6c: {  	v6 =	vand.u32 $0x3F, v6;
	v7 =	vand.u32 $0xF80, v7;
	s22 =	sadd.s32 s22, s31  }
0x6d: {  	v8 =	vld [tilespmem:s24+$0x14100];
	v6 =	vor.u32 v6, v7;
	s24 =	sshra.s32 s22, $0x6  }
0x6e: {  	p0 =	sle.s32 s24, s25  }
.Ltmp5:
0x6f: {  	_ = 	snop;
	(pc) =	sbr.rel @p0 .LBB2_9-.Ltmp5, $3  }
0x70: {  	_ =	sdelay $0x1  }
0x71: {  	[tilespmem:v6+s18+$0x0] =	vst.idx.msk vm0, v8  }
0x72: {  	[tilespmem:v6+s19+$0x0] =	vst.idx.msk vm0, v5  }
0x73: {  	s26 =	ssub.s32 s24, s25  }
0x74: {  	p1 =	sne.s32 s26, $0x1  }
.Ltmp6:
0x75: {  	_ = 	snop;
	(pc) =	sbr.rel @!p1 .LBB2_8-.Ltmp6, $3  }
0x76: {  	_ =	sdelay $0x1  }
0x77: {  	s28 =	sshll.u32 s25, $0x7  }
0x78: {  	p0 =	por $0x0, $0x0;
	s26 =	sadd.s32 $0xFFFFFFFF, s26;
	s25 =	sand.u32 $0xF80, s28  }
0x79: {  	s29 =	sadd.s32 $0x15100, s25  }
0x7a: {  	[tilespmem:s21], [sflag:$0x1] =	stream.indirect.gather [hbm4b:s4+s20], $0x200, s29, s20, $0xb8;
	[tilespmem:$0x1F100] =	vst v63  }
0x7b: {  	p1 =	sne.s32 s26, $0x1;
	_ =	swait.ge [sflag:s15], $0x8000  }
.Ltmp7:
0x7c: {  	[sflag:s15] =	ssyncset.done $0x0;
	(pc) =	sbr.rel @!p1 .LBB2_8-.Ltmp7, $4  }
0x7d: {  	s31 =	sadd.s32 $0x16100, s25;
	[sflag:s15] =	ssyncadd.s32 $0xFFFF8000  }
0x7e: {  	[spmem:s1] =	stream.indirect.scatter.add.f32 [tilespmem:s21], [sflag:$0x1], $0x200, s31, s20, $0xb8;
	[tilespmem:$0x1F100] =	vst v63  }
0x7f: {  	s26 =	sadd.s32 $0xFFFFFFFF, s26;
	s28 =	sadd.s32 $0x80, s28;
	_ =	swait.ge [sflag:s15], $0x8000  }
0x80: {  	p0 =	por $0x1, $0x1;
	s25 =	sand.u32 $0xF80, s28;
	[sflag:s15] =	ssyncset.done $0x0  }
.LBB2_7:
0x81: {  	p1 =	sne.s32 s26, $0x1;
	s29 =	sadd.s32 $0x15100, s25;
	[sflag:s15] =	ssyncadd.s32 $0xFFFF8000  }
0x82: {  	[tilespmem:s21], [sflag:$0x1] =	stream.indirect.gather [hbm4b:s4+s20], $0x200, s29, s20, $0xb8;
	[tilespmem:$0x1F100] =	vst v63  }
0x83: {  	s26 =	sadd.s32 $0xFFFFFFFF, s26;
	_ =	swait.ge [sflag:s15], $0x8000  }
.Ltmp8:
0x84: {  	[sflag:s15] =	ssyncset.done $0x0;
	(pc) =	sbr.rel @p1 .LBB2_7-.Ltmp8, $4  }
0x85: {  	s25 =	sadd.s32 $0x16100, s25;
	[sflag:s15] =	ssyncadd.s32 $0xFFFF8000  }
0x86: {  	[spmem:s1] =	stream.indirect.scatter.add.f32 [tilespmem:s21], [sflag:$0x1], $0x200, s25, s20, $0xb8;
	[tilespmem:$0x1F100] =	vst v63  }
0x87: {  	s28 =	sadd.s32 $0x80, s28;
	_ =	swait.ge [sflag:s15], $0x8000  }
0x88: {  	s25 =	sand.u32 $0xF80, s28;
	[sflag:s15] =	ssyncset.done $0x0  }
.Ltmp9:
0x89: {  	_ = 	snop;
	(pc) =	sbr.rel .LBB2_8-.Ltmp9, $1  }
0x8a: {  	_ =	sdelay $0x3  }
.LBB2_10:
0x8b: {  	v5 =	vadd.s32 s22, v3  }
0x8c: {  	s23 =	sadd.s32 $0x10, s22;
	v6 =	vshll.u32 v5, $0x1  }
0x8d: {  	v5 =	vand.u32 $0x3F, v5;
	v7 =	vadd.s32 s23, v3;
	v6 =	vand.u32 $0xF80, v6  }
0x8e: {  	s29 =	sadd.s32 $0x20, s22;
	v5 =	vor.u32 v5, v6;
	v6 =	vshll.u32 v7, $0x1  }
0x8f: {  	v8 =	vadd.s32 s29, v3;
	v7 =	vand.u32 $0x3F, v7;
	v6 =	vand.u32 $0xF80, v6  }
0x90: {  	s30 =	sadd.s32 $0x30, s22;
	v6 =	vor.u32 v7, v6;
	v7 =	vshll.u32 v8, $0x1  }
0x91: {  	v9 =	vadd.s32 s30, v3;
	v8 =	vand.u32 $0x3F, v8;
	v7 =	vand.u32 $0xF80, v7  }
0x92: {  	v63 =	vshll.u32 v9, $0x1;
	v7 =	vor.u32 v8, v7  }
0x93: {  	s31 =	sadd.s32 $0x3F, s22;
	v9 =	vand.u32 $0x3F, v9;
	v8 =	vand.u32 $0xF80, v63;
	[tilespmem:v5+s18+$0x0] =	vst.idx.msk $0xffff, v2  }
0x94: {  	s22 =	sshra.s32 s31, $0x6;
	[tilespmem:v5+s19+$0x0] =	vst.idx.msk $0xffff, v4;
	v5 =	vor.u32 v9, v8  }
0x95: {  	p0 =	sle.s32 s22, s24;
	[tilespmem:v6+s18+$0x0] =	vst.idx.msk $0xffff, v2  }
.Ltmp10:
0x96: {  	[tilespmem:v6+s19+$0x0] =	vst.idx.msk $0xffff, v4;
	(pc) =	sbr.rel @p0 .LBB2_15-.Ltmp10, $4  }
0x97: {  	[tilespmem:v7+s18+$0x0] =	vst.idx.msk $0xffff, v2  }
0x98: {  	[tilespmem:v7+s19+$0x0] =	vst.idx.msk $0xffff, v4  }
0x99: {  	[tilespmem:v5+s18+$0x0] =	vst.idx.msk $0xffff, v2  }
0x9a: {  	[tilespmem:v5+s19+$0x0] =	vst.idx.msk $0xffff, v4  }
0x9b: {  	s22 =	ssub.s32 s22, s24  }
0x9c: {  	p1 =	sne.s32 s22, $0x1  }
.Ltmp11:
0x9d: {  	_ = 	snop;
	(pc) =	sbr.rel @!p1 .LBB2_14-.Ltmp11, $3  }
0x9e: {  	_ =	sdelay $0x1  }
0x9f: {  	s24 =	sshll.u32 s24, $0x7  }
0xa0: {  	p0 =	por $0x0, $0x0;
	s23 =	sadd.s32 $0xFFFFFFFF, s22;
	s22 =	sand.u32 $0xF80, s24  }
0xa1: {  	s25 =	sadd.s32 $0x15100, s22  }
0xa2: {  	[tilespmem:s21], [sflag:$0x1] =	stream.indirect.gather [hbm4b:s4+s20], $0x200, s25, s20, $0xb8;
	[tilespmem:$0x1F100] =	vst v63  }
0xa3: {  	p1 =	sne.s32 s23, $0x1;
	_ =	swait.ge [sflag:s15], $0x8000  }
.Ltmp12:
0xa4: {  	[sflag:s15] =	ssyncset.done $0x0;
	(pc) =	sbr.rel @!p1 .LBB2_14-.Ltmp12, $4  }
0xa5: {  	s31 =	sadd.s32 $0x16100, s22;
	[sflag:s15] =	ssyncadd.s32 $0xFFFF8000  }
0xa6: {  	[spmem:s1] =	stream.indirect.scatter.add.f32 [tilespmem:s21], [sflag:$0x1], $0x200, s31, s20, $0xb8;
	[tilespmem:$0x1F100] =	vst v63  }
0xa7: {  	s23 =	sadd.s32 $0xFFFFFFFF, s23;
	s24 =	sadd.s32 $0x80, s24;
	_ =	swait.ge [sflag:s15], $0x8000  }
0xa8: {  	p0 =	por $0x1, $0x1;
	s22 =	sand.u32 $0xF80, s24;
	[sflag:s15] =	ssyncset.done $0x0  }
.LBB2_13:
0xa9: {  	p1 =	sne.s32 s23, $0x1;
	s25 =	sadd.s32 $0x15100, s22;
	[sflag:s15] =	ssyncadd.s32 $0xFFFF8000  }
0xaa: {  	[tilespmem:s21], [sflag:$0x1] =	stream.indirect.gather [hbm4b:s4+s20], $0x200, s25, s20, $0xb8;
	[tilespmem:$0x1F100] =	vst v63  }
0xab: {  	s23 =	sadd.s32 $0xFFFFFFFF, s23;
	_ =	swait.ge [sflag:s15], $0x8000  }
.Ltmp13:
0xac: {  	[sflag:s15] =	ssyncset.done $0x0;
	(pc) =	sbr.rel @p1 .LBB2_13-.Ltmp13, $4  }
0xad: {  	s22 =	sadd.s32 $0x16100, s22;
	[sflag:s15] =	ssyncadd.s32 $0xFFFF8000  }
0xae: {  	[spmem:s1] =	stream.indirect.scatter.add.f32 [tilespmem:s21], [sflag:$0x1], $0x200, s22, s20, $0xb8;
	[tilespmem:$0x1F100] =	vst v63  }
0xaf: {  	s24 =	sadd.s32 $0x80, s24;
	_ =	swait.ge [sflag:s15], $0x8000  }
0xb0: {  	s22 =	sand.u32 $0xF80, s24;
	[sflag:s15] =	ssyncset.done $0x0  }
.LBB2_14:
0xb1: {  	s23 =	sadd.s32 $0x15100, s22;
	[sflag:s15] =	ssyncadd.s32 @p0 $0xFFFF8000  }
0xb2: {  	[tilespmem:s21], [sflag:$0x1] =	stream.indirect.gather [hbm4b:s4+s20], $0x200, s23, s20, $0xb8;
	[tilespmem:$0x1F100] =	vst v63  }
0xb3: {  	_ =	swait.ge [sflag:s15], $0x8000  }
0xb4: {  	[sflag:s15] =	ssyncset.done $0x0  }
0xb5: {  	s31 =	sadd.s32 $0x16100, s22;
	[sflag:s15] =	ssyncadd.s32 $0xFFFF8000  }
0xb6: {  	[spmem:s1] =	stream.indirect.scatter.add.f32 [tilespmem:s21], [sflag:$0x1], $0x200, s31, s20, $0xb8;
	[tilespmem:$0x1F100] =	vst v63  }
0xb7: {  	_ =	swait.ge [sflag:s15], $0x8000  }
0xb8: {  	[sflag:s15] =	ssyncset.done $0x0  }
0xb9: {  	[sflag:s15] =	ssyncadd.s32 $0xFFFF8000  }
.LBB2_15:
0xba: {  	[bflag:$0x0] =	sbarrier.arrive $0xFFFF  }
0xbb: {  	[hbm:s10], [sflag:s8] =	dma.local [spmem:s14], $0x2800  }
0xbc: {  	_ =	swait.ge [sflag:s15], $0x2800  }
0xbd: {  	[sflag:s15] =	ssyncset.done $0x0  }
0xbe: {  	[sflag:s15] =	ssyncadd.s32 $0xFFFFD800  }
0xbf: {  	[spmem:s14], [sflag:s8] =	dma.local [hbm:s11], $0x2800  }
.Ltmp14:
0xc0: {  	_ =	swait.ge [sflag:s15], $0x2800;
	(pc) =	sbr.rel .LBB2_16-.Ltmp14, $4  }
0xc1: {  	[sflag:s15] =	ssyncset.done $0x0  }
0xc2: {  	[sflag:s15] =	ssyncadd.s32 $0xFFFFD800  }
0xc3: {  	s23 =	simm.s32 $0x0;
	[bflag:$0x0] =	sbarrier.arrive $0xFFFF  }
0xc4: {  	s25 =	simm.s32 $0x0;
	s22 =	simm.s32 $0x0;
	s24 =	simm.s32 $0x0  }
.LBB2_22:
0xc5: {  	s28 =	sadd.s32 $0x15100, s26;
	[sflag:s15] =	ssyncadd.s32 @p0 $0xFFFF8000  }
0xc6: {  	[tilespmem:s21], [sflag:$0x1] =	stream.indirect.gather [hbm4b:s4+s20], $0x200, s28, s20, $0xb8;
	[tilespmem:$0x1F100] =	vst v63  }
0xc7: {  	_ =	swait.ge [sflag:s15], $0x8000  }
0xc8: {  	[sflag:s15] =	ssyncset.done $0x0  }
0xc9: {  	s31 =	sadd.s32 $0x16100, s26;
	[sflag:s15] =	ssyncadd.s32 $0xFFFF8000  }
0xca: {  	[spmem:s1] =	stream.indirect.scatter.add.f32 [tilespmem:s21], [sflag:$0x1], $0x200, s31, s20, $0xb8;
	[tilespmem:$0x1F100] =	vst v63  }
0xcb: {  	_ =	swait.ge [sflag:s15], $0x8000  }
0xcc: {  	[sflag:s15] =	ssyncset.done $0x0  }
0xcd: {  	[sflag:s15] =	ssyncadd.s32 $0xFFFF8000  }
.LBB2_23:
0xce: {  	s24 =	sadd.s32 $0x1, s24  }
0xcf: {  	p0 =	sne.s32 s24, $0x5  }
.Ltmp15:
0xd0: {  	_ = 	snop;
	(pc) =	sbr.rel @!p0 .LBB2_24-.Ltmp15, $1  }
0xd1: {  	_ =	sdelay $0x3  }
.LBB2_16:
0xd2: {  	s26 =	sshll.u32 s24, $0xB  }
0xd3: {  	s26 =	sadd.s32 s9, s26  }
0xd4: {  	s26 =	sshrl.u32 s26, $0x3  }
0xd5: {  	s28 =	sadd.s32 s5, s26  }
0xd6: {  	[tilespmem:s16], [sflag:$0x1] =	stream.linear.gather [hbm4b:s28+s23], $0x800, $0x38;
	[tilespmem:$0x1F100] =	vst v63  }
0xd7: {  	_ =	swait.ge [sflag:s15], $0x800  }
0xd8: {  	[sflag:s15] =	ssyncset.done $0x0  }
0xd9: {  	s26 =	sadd.s32 s6, s26;
	[sflag:s15] =	ssyncadd.s32 $0xFFFFF800  }
0xda: {  	[tilespmem:s17], [sflag:$0x1] =	stream.linear.gather [hbm4b:s26+s23], $0x800, $0x38;
	[tilespmem:$0x1F100] =	vst v63  }
0xdb: {  	_ =	swait.ge [sflag:s15], $0x800  }
0xdc: {  	[sflag:s15] =	ssyncset.done $0x0  }
0xdd: {  	s31 =	simm.s32 $0x0;
	[sflag:s15] =	ssyncadd.s32 $0xFFFFF800  }
0xde: {  	v5 =	vld [tilespmem:s31+$0x14900];
	_ =	sdelay $0x4  }
0xdf: {  	v5 =	vsub.s32 v5, v1  }
0xe0: {  	vm0 =	vlt.u32 v5, $0xA00  }
0xe1: {  	v6 =	vsel vm0, $0x1, v2  }
0xe2: {  	(xrf0) =	vadd.scan.msk.s32 $0xffff, v6;
	_ =	sdelay $0x2  }
0xe3: {  	v6 =	vmov s22  }
0xe4: {  	v6 =	vadd.s32 $0xFFFFFFFF, v6  }
0xe5: {  	v6 =	vbroadcast v6, $0x0  }
0xe6: {  	v7, _, _ =	vpop (xrf0)  }
0xe7: {  	v6 =	vadd.s32 v7, v6;
	(v2sf) =	vpush v7, $0xF  }
0xe8: {  	v8 =	vshll.u32 v6, $0x1  }
0xe9: {  	v6 =	vand.u32 $0x3F, v6;
	v8 =	vand.u32 $0xF80, v8  }
0xea: {  	v63 =	vld [tilespmem:s31+$0x14100];
	v6 =	vor.u32 v6, v8;
	_ =	sdelay $0x4  }
0xeb: {  	[tilespmem:v6+s18+$0x0] =	vst.idx.msk vm0, v63  }
0xec: {  	s28 =	simm.s32 $0x80;
	s26 =	smov.u32 s25;
	s25 =	simm.s32 $0x10;
	[tilespmem:v6+s19+$0x0] =	vst.idx.msk vm0, v5  }
.LBB2_17:
0xed: {  	p0 =	sne.s32 s28, $0x1FC0;
	v5 =	vld [tilespmem:s25+$0x14900];
	_ =	sdelay $0x4  }
0xee: {  	v5 =	vsub.s32 v5, v1;
	s29 =	spop (v2sf)  }
0xef: {  	vm0 =	vlt.u32 v5, $0xA00;
	s22 =	sadd.s32 s22, s29  }
0xf0: {  	v6 =	vsel vm0, $0x1, v2;
	v7 =	vmov s22  }
0xf1: {  	v7 =	vadd.s32 $0xFFFFFFFF, v7;
	(xrf0) =	vadd.scan.msk.s32 $0xffff, v6  }
0xf2: {  	v6 =	vbroadcast v7, $0x0;
	_ =	sdelay $0x4  }
0xf3: {  	v7, _, _ =	vpop (xrf0)  }
0xf4: {  	v6 =	vadd.s32 v7, v6;
	(v2sf) =	vpush v7, $0xF  }
0xf5: {  	v7 =	vand.u32 $0x3F, v6;
	v6 =	vshll.u32 v6, $0x1  }
0xf6: {  	v6 =	vand.u32 $0xF80, v6  }
0xf7: {  	v8 =	vld [tilespmem:s25+$0x14100];
	v6 =	vor.u32 v7, v6;
	_ =	sdelay $0x1  }
.Ltmp16:
0xf8: {  	(pc) =	sbr.rel @p0 .LBB2_17-.Ltmp16, $3  }
0xf9: {  	_ =	sdelay $0x1  }
0xfa: {  	[tilespmem:v6+s18+$0x0] =	vst.idx.msk vm0, v8  }
0xfb: {  	s25 =	sshra.s32 s28, $0x2;
	s28 =	sadd.s32 $0x40, s28;
	[tilespmem:v6+s19+$0x0] =	vst.idx.msk vm0, v5  }
0xfc: {  	v5 =	vld [tilespmem:s25+$0x14900];
	_ =	sdelay $0x4  }
0xfd: {  	v5 =	vsub.s32 v5, v1  }
0xfe: {  	vm0 =	vlt.u32 v5, $0xA00  }
0xff: {  	v6 =	vsel vm0, $0x1, v2  }
0x100: {  	(xrf0) =	vadd.scan.msk.s32 $0xffff, v6;
	_ =	sdelay $0x5  }
0x101: {  	v6, _, _ =	vpop (xrf0)  }
0x102: {  	(v2sf) =	vpush v6, $0xF;
	_ =	sdelay $0x7  }
0x103: {  	s28 =	spop (v2sf)  }
0x104: {  	s22 =	sadd.s32 s22, s28  }
0x105: {  	v7 =	vmov s22  }
0x106: {  	v7 =	vadd.s32 $0xFFFFFFFF, v7  }
0x107: {  	v7 =	vbroadcast v7, $0x0;
	_ =	sdelay $0x1  }
0x108: {  	v6 =	vadd.s32 v6, v7  }
0x109: {  	v7 =	vshll.u32 v6, $0x1;
	s31 =	spop (v2sf)  }
0x10a: {  	v6 =	vand.u32 $0x3F, v6;
	v7 =	vand.u32 $0xF80, v7;
	s22 =	sadd.s32 s22, s31  }
0x10b: {  	v8 =	vld [tilespmem:s25+$0x14100];
	v6 =	vor.u32 v6, v7;
	s25 =	sshra.s32 s22, $0x6  }
0x10c: {  	p0 =	sle.s32 s25, s26  }
.Ltmp17:
0x10d: {  	_ = 	snop;
	(pc) =	sbr.rel @p0 .LBB2_23-.Ltmp17, $3  }
0x10e: {  	_ =	sdelay $0x1  }
0x10f: {  	[tilespmem:v6+s18+$0x0] =	vst.idx.msk vm0, v8  }
0x110: {  	[tilespmem:v6+s19+$0x0] =	vst.idx.msk vm0, v5  }
0x111: {  	s28 =	ssub.s32 s25, s26  }
0x112: {  	p1 =	sne.s32 s28, $0x1  }
.Ltmp18:
0x113: {  	_ = 	snop;
	(pc) =	sbr.rel @!p1 .LBB2_22-.Ltmp18, $3  }
0x114: {  	_ =	sdelay $0x1  }
0x115: {  	s29 =	sshll.u32 s26, $0x7  }
0x116: {  	p0 =	por $0x0, $0x0;
	s28 =	sadd.s32 $0xFFFFFFFF, s28;
	s26 =	sand.u32 $0xF80, s29  }
0x117: {  	s30 =	sadd.s32 $0x15100, s26  }
0x118: {  	[tilespmem:s21], [sflag:$0x1] =	stream.indirect.gather [hbm4b:s4+s20], $0x200, s30, s20, $0xb8;
	[tilespmem:$0x1F100] =	vst v63  }
0x119: {  	p1 =	sne.s32 s28, $0x1;
	_ =	swait.ge [sflag:s15], $0x8000  }
.Ltmp19:
0x11a: {  	[sflag:s15] =	ssyncset.done $0x0;
	(pc) =	sbr.rel @!p1 .LBB2_22-.Ltmp19, $4  }
0x11b: {  	s31 =	sadd.s32 $0x16100, s26;
	[sflag:s15] =	ssyncadd.s32 $0xFFFF8000  }
0x11c: {  	[spmem:s1] =	stream.indirect.scatter.add.f32 [tilespmem:s21], [sflag:$0x1], $0x200, s31, s20, $0xb8;
	[tilespmem:$0x1F100] =	vst v63  }
0x11d: {  	s28 =	sadd.s32 $0xFFFFFFFF, s28;
	s29 =	sadd.s32 $0x80, s29;
	_ =	swait.ge [sflag:s15], $0x8000  }
0x11e: {  	p0 =	por $0x1, $0x1;
	s26 =	sand.u32 $0xF80, s29;
	[sflag:s15] =	ssyncset.done $0x0  }
.LBB2_21:
0x11f: {  	p1 =	sne.s32 s28, $0x1;
	s30 =	sadd.s32 $0x15100, s26;
	[sflag:s15] =	ssyncadd.s32 $0xFFFF8000  }
0x120: {  	[tilespmem:s21], [sflag:$0x1] =	stream.indirect.gather [hbm4b:s4+s20], $0x200, s30, s20, $0xb8;
	[tilespmem:$0x1F100] =	vst v63  }
0x121: {  	s28 =	sadd.s32 $0xFFFFFFFF, s28;
	_ =	swait.ge [sflag:s15], $0x8000  }
.Ltmp20:
0x122: {  	[sflag:s15] =	ssyncset.done $0x0;
	(pc) =	sbr.rel @p1 .LBB2_21-.Ltmp20, $4  }
0x123: {  	s26 =	sadd.s32 $0x16100, s26;
	[sflag:s15] =	ssyncadd.s32 $0xFFFF8000  }
0x124: {  	[spmem:s1] =	stream.indirect.scatter.add.f32 [tilespmem:s21], [sflag:$0x1], $0x200, s26, s20, $0xb8;
	[tilespmem:$0x1F100] =	vst v63  }
0x125: {  	s29 =	sadd.s32 $0x80, s29;
	_ =	swait.ge [sflag:s15], $0x8000  }
0x126: {  	s26 =	sand.u32 $0xF80, s29;
	[sflag:s15] =	ssyncset.done $0x0  }
.Ltmp21:
0x127: {  	_ = 	snop;
	(pc) =	sbr.rel .LBB2_22-.Ltmp21, $1  }
0x128: {  	_ =	sdelay $0x3  }
.LBB2_24:
0x129: {  	v5 =	vadd.s32 s22, v3  }
0x12a: {  	s23 =	sadd.s32 $0x10, s22;
	v6 =	vshll.u32 v5, $0x1  }
0x12b: {  	v5 =	vand.u32 $0x3F, v5;
	v7 =	vadd.s32 s23, v3;
	v6 =	vand.u32 $0xF80, v6  }
0x12c: {  	s29 =	sadd.s32 $0x20, s22;
	v5 =	vor.u32 v5, v6;
	v6 =	vshll.u32 v7, $0x1  }
0x12d: {  	v8 =	vadd.s32 s29, v3;
	v7 =	vand.u32 $0x3F, v7;
	v6 =	vand.u32 $0xF80, v6  }
0x12e: {  	s30 =	sadd.s32 $0x30, s22;
	v6 =	vor.u32 v7, v6;
	v7 =	vshll.u32 v8, $0x1  }
0x12f: {  	v9 =	vadd.s32 s30, v3;
	v8 =	vand.u32 $0x3F, v8;
	v7 =	vand.u32 $0xF80, v7  }
0x130: {  	v63 =	vshll.u32 v9, $0x1;
	v7 =	vor.u32 v8, v7  }
0x131: {  	s31 =	sadd.s32 $0x3F, s22;
	v9 =	vand.u32 $0x3F, v9;
	v8 =	vand.u32 $0xF80, v63;
	[tilespmem:v5+s18+$0x0] =	vst.idx.msk $0xffff, v2  }
0x132: {  	s22 =	sshra.s32 s31, $0x6;
	[tilespmem:v5+s19+$0x0] =	vst.idx.msk $0xffff, v4;
	v5 =	vor.u32 v9, v8  }
0x133: {  	p0 =	sle.s32 s22, s25;
	[tilespmem:v6+s18+$0x0] =	vst.idx.msk $0xffff, v2  }
.Ltmp22:
0x134: {  	[tilespmem:v6+s19+$0x0] =	vst.idx.msk $0xffff, v4;
	(pc) =	sbr.rel @p0 .LBB2_29-.Ltmp22, $4  }
0x135: {  	[tilespmem:v7+s18+$0x0] =	vst.idx.msk $0xffff, v2  }
0x136: {  	[tilespmem:v7+s19+$0x0] =	vst.idx.msk $0xffff, v4  }
0x137: {  	[tilespmem:v5+s18+$0x0] =	vst.idx.msk $0xffff, v2  }
0x138: {  	[tilespmem:v5+s19+$0x0] =	vst.idx.msk $0xffff, v4  }
0x139: {  	s22 =	ssub.s32 s22, s25  }
0x13a: {  	p1 =	sne.s32 s22, $0x1  }
.Ltmp23:
0x13b: {  	_ = 	snop;
	(pc) =	sbr.rel @!p1 .LBB2_28-.Ltmp23, $3  }
0x13c: {  	_ =	sdelay $0x1  }
0x13d: {  	s24 =	sshll.u32 s25, $0x7  }
0x13e: {  	p0 =	por $0x0, $0x0;
	s23 =	sadd.s32 $0xFFFFFFFF, s22;
	s22 =	sand.u32 $0xF80, s24  }
0x13f: {  	s25 =	sadd.s32 $0x15100, s22  }
0x140: {  	[tilespmem:s21], [sflag:$0x1] =	stream.indirect.gather [hbm4b:s4+s20], $0x200, s25, s20, $0xb8;
	[tilespmem:$0x1F100] =	vst v63  }
0x141: {  	p1 =	sne.s32 s23, $0x1;
	_ =	swait.ge [sflag:s15], $0x8000  }
.Ltmp24:
0x142: {  	[sflag:s15] =	ssyncset.done $0x0;
	(pc) =	sbr.rel @!p1 .LBB2_28-.Ltmp24, $4  }
0x143: {  	s31 =	sadd.s32 $0x16100, s22;
	[sflag:s15] =	ssyncadd.s32 $0xFFFF8000  }
0x144: {  	[spmem:s1] =	stream.indirect.scatter.add.f32 [tilespmem:s21], [sflag:$0x1], $0x200, s31, s20, $0xb8;
	[tilespmem:$0x1F100] =	vst v63  }
0x145: {  	s23 =	sadd.s32 $0xFFFFFFFF, s23;
	s24 =	sadd.s32 $0x80, s24;
	_ =	swait.ge [sflag:s15], $0x8000  }
0x146: {  	p0 =	por $0x1, $0x1;
	s22 =	sand.u32 $0xF80, s24;
	[sflag:s15] =	ssyncset.done $0x0  }
.LBB2_27:
0x147: {  	p1 =	sne.s32 s23, $0x1;
	s25 =	sadd.s32 $0x15100, s22;
	[sflag:s15] =	ssyncadd.s32 $0xFFFF8000  }
0x148: {  	[tilespmem:s21], [sflag:$0x1] =	stream.indirect.gather [hbm4b:s4+s20], $0x200, s25, s20, $0xb8;
	[tilespmem:$0x1F100] =	vst v63  }
0x149: {  	s23 =	sadd.s32 $0xFFFFFFFF, s23;
	_ =	swait.ge [sflag:s15], $0x8000  }
.Ltmp25:
0x14a: {  	[sflag:s15] =	ssyncset.done $0x0;
	(pc) =	sbr.rel @p1 .LBB2_27-.Ltmp25, $4  }
0x14b: {  	s22 =	sadd.s32 $0x16100, s22;
	[sflag:s15] =	ssyncadd.s32 $0xFFFF8000  }
0x14c: {  	[spmem:s1] =	stream.indirect.scatter.add.f32 [tilespmem:s21], [sflag:$0x1], $0x200, s22, s20, $0xb8;
	[tilespmem:$0x1F100] =	vst v63  }
0x14d: {  	s24 =	sadd.s32 $0x80, s24;
	_ =	swait.ge [sflag:s15], $0x8000  }
0x14e: {  	s22 =	sand.u32 $0xF80, s24;
	[sflag:s15] =	ssyncset.done $0x0  }
.Ltmp26:
0x14f: {  	_ = 	snop;
	(pc) =	sbr.rel .LBB2_28-.Ltmp26, $1  }
0x150: {  	_ =	sdelay $0x3  }
.LBB2_30:
0x151: {  	_ =	sfence.sel $0x180000  }
0x152: {  	[bflag:$0x0] =	sbarrier.arrive $0xFFFF  }
0x153: {  	p0 =	sne.s32 s2, $0x0;
	_ =	strace $0x9000004A  }
0x154: {  	s0 =	sadd.s32 @!p0 $0x100000, s0;
	[bflag:$0x2] =	sbarrier.arrive $0xFFFF  }
0x155: {  	[sflag:s0] =	ssyncadd.tile.s32 @!p0 $0x1;
	_ =	shalt  }
.Lfunc_end2:
_tile_overlayer_lowered:
.L_overlay_start_2:
0x156: {  	(tag) =	ssettag $0x2  }
0x157: {  	s0 =	rddreg [dreg:$0x0];
	s2 =	stileid.u32  }
0x158: {  	s1 =	rddreg [dreg:$0x1];
	p0 =	sne.s32 s2, $0x0  }
0x159: {  	s3 =	rddreg [dreg:$0x2];
	[bflag:$0x3] =	sbarrier.arrive $0xFFFF;
	s2 =	simm.s32 @!p0 $0x1C01  }
0x15a: {  	[timem:s3], [sflag:s2] =	dma.local @!p0 [hbm:s0], s1  }
0x15b: {  	s0 =	simm.s32 @!p0 $0x1  }
0x15c: {  	_ =	swait.ge @!p0 [sflag:s0], s1  }
0x15d: {  	s1 =	ssub.s32 @!p0 $0x0, s1;
	[sflag:s0] =	ssyncset.done @!p0 $0x0  }
0x15e: {  	[sflag:s0] =	ssyncadd.s32 @!p0 s1  }
0x15f: {  	[bflag:$0x3] =	sbarrier.arrive $0xFFFF  }
0x160: {  	_ =	shalt  }

// kernel: kernel.8.cloned.1.call-start
scs
__scs_entry_jumppad:
0x0: {  	(pc) =	sbr.rel $0x88, $3  }
0x1: {  	(tag) =	ssettag $0x0;
	lr =	simm.s32 $0x1  }
0x2: {  	[smem:$0x3F9B] =	sst lr;
	_ =	strace $0xD0000000  }
0x3: {  	_ = 	snop  }
0x4: {  	_ = 	snop  }
0x5: {  	_ = 	snop  }
0x6: {  	_ = 	snop  }
0x7: {  	_ = 	snop  }
__scs_overlays_trampoline_lowered:
0x8: {  	[smem:$0x3FAA] =	sst s0  }
0x9: {  	[smem:$0x3FAB] =	sst s1  }
0xa: {  	[smem:$0x3FAC] =	sst s2  }
0xb: {  	[smem:$0x3FAD] =	sst s3  }
0xc: {  	[smem:$0x3FAE] =	sst s4  }
0xd: {  	[smem:$0x3FAF] =	sst s5  }
0xe: {  	[smem:$0x3FB0] =	sst s6  }
0xf: {  	[smem:$0x3FB1] =	sst s7  }
0x10: {  	[smem:$0x3FB2] =	sst s8  }
0x11: {  	[smem:$0x3FB3] =	sst s9;
	s0 =	simm.s32 @!p0 $0x0  }
0x12: {  	s1 =	sld [smem:$0x3F99];
	s0 =	simm.s32 @p0 $0x1  }
0x13: {  	[smem:$0x3FB4] =	sst s0;
	s0 =	simm.s32 @!p1 $0x0  }
0x14: {  	s2 =	sld [smem:$0x3F98];
	s0 =	simm.s32 @p1 $0x1  }
0x15: {  	[smem:$0x3FB5] =	sst s0;
	s0 =	simm.s32 @!p2 $0x0  }
0x16: {  	s3 =	sld [smem:$0x3FDB];
	s0 =	simm.s32 @p2 $0x1  }
0x17: {  	s4 =	simm.s32 $0x1BF5;
	[smem:$0x3FB7] =	sst s0  }
0x18: {  	s0 =	sld [smem:$0x3F9A];
	_ =	swait.ge [sflag:s4], $0x0  }
0x19: {  	s7 =	sld [smem:$0x3F9B]  }
0x1a: {  	s8 =	sadd.s32 $0xFFFFE003, lr  }
0x1b: {  	s9 =	sadd.s32 $0xFFFFFEF7, lr;
	s5 =	simm.s32 $0xFFFFFFFF;
	p2 =	slt.u32 s8, $0xFFFFF086  }
0x1c: {  	p1 =	slt.u32 s9, $0xF7A;
	s5 =	simm.s32 @!p2 $0x0  }
0x1d: {  	s5 =	simm.s32 @p1 $0x1;
	p0 =	seq.s32 s7, s2  }
0x1e: {  	s7 =	smul.u32 @!p0 $0xF7A, s2;
	p2 =	seq.s32 @!p0 s5, $0x0  }
0x1f: {  	s9 =	smul.u32 $0xF7A, s1;
	s8 =	simm.s32 @!p0 $0x1BF5;
	p2 =	por !p2, p0  }
0x20: {  	[sflag:s8] =	ssyncset.s32 @!p0 $0xFFFFF086;
	s6 =	sadd.s32 @!p0 s3, s7;
	s7 =	simm.s32 @!p0 $0x108  }
0x21: {  	s3 =	sadd.s32 s3, s9;
	s6 =	sadd.s32 @!p0 $0x88, s6;
	s7 =	simm.s32 @p2 $0x1082  }
0x22: {  	[simem:s7], [sflag:s8] =	dma.local @!p0 [hbm:s6], $0xF7A  }
0x23: {  	s9 =	sor.u32 $0xD0000000, s2;
	s6 =	simm.s32 $0x108;
	_ =	swait.ge @!p0 [sflag:s8], $0x0  }
0x24: {  	s3 =	sadd.s32 $0x88, s3;
	s6 =	simm.s32 @!p1 $0x1082;
	[sflag:s4] =	ssyncset.s32 $0xFFFFF086  }
0x25: {  	[simem:s6], [sflag:s4] =	dma.local [hbm:s3], $0xF7A  }
0x26: {  	[smem:$0x3F9B] =	sst s1;
	(tag) =	ssettag s2;
	_ =	strace s9  }
0x27: {  	s1 =	sld [smem:$0x3FAB]  }
0x28: {  	s2 =	sld [smem:$0x3FAC]  }
0x29: {  	s4 =	sld [smem:$0x3FAE]  }
0x2a: {  	p0 =	seq.s32 s5, $0x0;
	s5 =	sld [smem:$0x3FAF]  }
0x2b: {  	s6 =	sld [smem:$0x3FB0]  }
0x2c: {  	s7 =	sld [smem:$0x3FB1]  }
0x2d: {  	s3 =	simm.s32 $0x108;
	s8 =	sld [smem:$0x3FB2]  }
0x2e: {  	s3 =	simm.s32 @!p0 $0x1082;
	s9 =	sld [smem:$0x3FB3]  }
0x2f: {  	lr =	sadd.s32 s0, s3;
	s0 =	sld [smem:$0x3FAA]  }
0x30: {  	s3 =	sld [smem:$0x3FAD]  }
0x31: {  	[smem:$0x3FB6] =	sst s10  }
0x32: {  	s10 =	sld [smem:$0x3FB4];
	_ =	sdelay $0x3  }
0x33: {  	p0 =	seq.s32 s10, $0x1;
	s10 =	sld [smem:$0x3FB6];
	_ =	sdelay $0x3  }
0x34: {  	[smem:$0x3FB6] =	sst s10  }
0x35: {  	s10 =	sld [smem:$0x3FB5];
	_ =	sdelay $0x3  }
0x36: {  	p1 =	seq.s32 s10, $0x1;
	s10 =	sld [smem:$0x3FB6];
	_ =	sdelay $0x3  }
0x37: {  	[smem:$0x3FB6] =	sst s10  }
0x38: {  	s10 =	sld [smem:$0x3FB7]  }
0x39: {  	_ = 	snop;
	(pc) =	sbr.ind lr, $3  }
0x3a: {  	_ = 	snop  }
0x3b: {  	_ = 	snop  }
0x3c: {  	p2 =	seq.s32 s10, $0x1;
	s10 =	sld [smem:$0x3FB6]  }
0x3d: {  	_ =	shalt  }
0x3e: {  	_ =	shalt  }
0x3f: {  	_ =	shalt  }
0x40: {  	_ =	shalt  }
0x41: {  	_ =	shalt  }
0x42: {  	_ =	shalt  }
0x43: {  	_ =	shalt  }
0x44: {  	_ =	shalt  }
0x45: {  	_ =	shalt  }
0x46: {  	_ =	shalt  }
0x47: {  	_ =	shalt  }
0x48: {  	_ =	shalt  }
0x49: {  	_ =	shalt  }
0x4a: {  	_ =	shalt  }
0x4b: {  	_ =	shalt  }
0x4c: {  	_ =	shalt  }
0x4d: {  	_ =	shalt  }
0x4e: {  	_ =	shalt  }
0x4f: {  	_ =	shalt  }
0x50: {  	_ =	shalt  }
0x51: {  	_ =	shalt  }
0x52: {  	_ =	shalt  }
0x53: {  	_ =	shalt  }
0x54: {  	_ =	shalt  }
0x55: {  	_ =	shalt  }
0x56: {  	_ =	shalt  }
0x57: {  	_ =	shalt  }
0x58: {  	_ =	shalt  }
0x59: {  	_ =	shalt  }
0x5a: {  	_ =	shalt  }
0x5b: {  	_ =	shalt  }
0x5c: {  	_ =	shalt  }
0x5d: {  	_ =	shalt  }
0x5e: {  	_ =	shalt  }
0x5f: {  	_ =	shalt  }
0x60: {  	_ =	shalt  }
0x61: {  	_ =	shalt  }
0x62: {  	_ =	shalt  }
0x63: {  	_ =	shalt  }
0x64: {  	_ =	shalt  }
0x65: {  	_ =	shalt  }
0x66: {  	_ =	shalt  }
0x67: {  	_ =	shalt  }
0x68: {  	_ =	shalt  }
0x69: {  	_ =	shalt  }
0x6a: {  	_ =	shalt  }
0x6b: {  	_ =	shalt  }
0x6c: {  	_ =	shalt  }
0x6d: {  	_ =	shalt  }
0x6e: {  	_ =	shalt  }
0x6f: {  	_ =	shalt  }
0x70: {  	_ =	shalt  }
0x71: {  	_ =	shalt  }
0x72: {  	_ =	shalt  }
0x73: {  	_ =	shalt  }
0x74: {  	_ =	shalt  }
0x75: {  	_ =	shalt  }
0x76: {  	_ =	shalt  }
0x77: {  	_ =	shalt  }
0x78: {  	_ =	shalt  }
0x79: {  	_ =	shalt  }
0x7a: {  	_ =	shalt  }
0x7b: {  	_ =	shalt  }
0x7c: {  	_ =	shalt  }
0x7d: {  	_ =	shalt  }
0x7e: {  	_ =	shalt  }
0x7f: {  	_ =	shalt  }
0x80: {  	_ =	shalt  }
0x81: {  	_ =	shalt  }
0x82: {  	_ =	shalt  }
0x83: {  	_ =	shalt  }
0x84: {  	_ =	shalt  }
0x85: {  	_ =	shalt  }
0x86: {  	_ =	shalt  }
0x87: {  	_ =	shalt  }
.Lfunc_end0:
.L_simem_size_0:
called_computation_lowered:
.L_overlay_start_0:
0x88: {  	s2 =	sld [smem:$0x3FD9]  }
0x89: {  	s3 =	sld [smem:$0x3FFE];
	_ =	sdelay $0x1  }
0x8a: {  	s1 =	srdreg.scid  }
0x8b: {  	s0 =	sand.u32 $0x1, s1  }
0x8c: {  	s17 =	sshll.u32 s0, $0xA;
	s2 =	sadd.s32 s3, s2  }
0x8d: {  	s2 =	sadd.s32 s2, s17  }
0x8e: {  	[smem:$0x3FC2] =	sst s2  }
0x8f: {  	_ = 	snop  }
0x90: {  	s2 =	sld [smem:$0x3FD0];
	(tm) =	ssettm $0x1  }
0x91: {  	s18 =	sld [smem:$0x3FFB];
	_ =	sdelay $0x3  }
0x92: {  	_ =	strace s18  }
0x93: {  	s3 =	sld [smem:$0x3FFC];
	_ =	sdelay $0x3  }
0x94: {  	_ =	strace s3  }
0x95: {  	s3 =	sld [smem:$0x3FFD];
	_ =	sdelay $0x3  }
0x96: {  	_ =	strace s3  }
0x97: {  	_ =	strace $0x8FFFFFFF  }
0x98: {  	s19 =	sld [smem:$0x3FDB];
	_ =	sdelay $0x1  }
0x99: {  	s4 =	simm.s32 $_scs_section_size  }
0x9a: {  	s5 =	simm.s32 $_size__tile_overlayer_lowered;
	s6 =	simm.s32 $_tile_overlayer_lowered  }
0x9b: {  	s22 =	simm.s32 $0x1BFF;
	s21 =	sshll.u32 s6, $0x1;
	s3 =	sadd.s32 s4, s19  }
0x9c: {  	s7 =	simm.s32 $0x0;
	s20 =	sshll.u32 s5, $0x1;
	s5 =	sadd.s32 s21, s3  }
0x9d: {  	[timem:s7], [sflag:s22] =	dma.local [hbm:s5], s20  }
0x9e: {  	_ =	swait.ge [sflag:s22], s20  }
0x9f: {  	s4 =	ssub.s32 $0x0, s20;
	[sflag:s22] =	ssyncset.done $0x0  }
0xa0: {  	[sflag:s22] =	ssyncadd.s32 s4;
	_ =	sdelay $0x1  }
0xa1: {  	s23 =	simm.s32 $0x1B8B  }
0xa2: {  	_ =	swait.ge [sflag:s23], $0x1  }
0xa3: {  	[sflag:s23] =	ssyncset.done $0x0  }
0xa4: {  	s25 =	simm.s32 $0x1B8E;
	s24 =	sld [smem:$0x3FFE];
	[sflag:s23] =	ssyncadd.s32 $0xFFFFFFFF  }
0xa5: {  	s26 =	simm.s32 $execute0_lowered;
	[smem:$0x3FD2] =	sst s25  }
0xa6: {  	s5 =	sshll.u32 s26, $0x1;
	_ =	strace $0x80000046;
	[dreg:$0x1] =	wrdreg $0xFFFFFFFF  }
0xa7: {  	s28 =	simm.s32 $_size_execute0_lowered;
	s3 =	sadd.s32 s3, s5;
	[dreg:$0x0] =	wrdreg $0x0  }
0xa8: {  	s5 =	sshll.u32 s28, $0x1;
	[dreg:$0x2] =	wrdreg s3  }
0xa9: {  	[dreg:$0x3] =	wrdreg s5  }
0xaa: {  	[dreg:$0x4] =	wrdreg $0xC0  }
0xab: {  	_ =	task [dreg:s7], $0x5FFFF  }
0xac: {  	[dreg:$0x1] =	wrdreg $0xFFFFFFFF  }
0xad: {  	[dreg:$0x0] =	wrdreg $0x60  }
0xae: {  	[dreg:$0x2] =	wrdreg s24  }
0xaf: {  	[dreg:$0x3] =	wrdreg s2  }
0xb0: {  	[dreg:$0x4] =	wrdreg $0x9  }
0xb1: {  	_ =	task.clear_ibuf [dreg:s7], $0x5FFFF;
	_ =	strace $0x90000046  }
0xb2: {  	s29 =	simm.s32 $0x9;
	_ =	strace $0x80000048  }
0xb3: {  	_ =	swait.ge [sflag:s29], $0x1  }
0xb4: {  	[sflag:s29] =	ssyncadd.s32 $0xFFFFFFFF  }
0xb5: {  	_ =	strace $0x90000048  }
0xb6: {  	_ =	sfence  }
0xb7: {  	s30 =	sld [smem:$0x0];
	_ =	sdelay $0x2  }
0xb8: {  	s31 =	sshll.u32 s1, $0xD;
	s1 =	sshrl.u32 s1, $0x2  }
0xb9: {  	s3 =	sand.u32 $0x4000, s31;
	s1 =	sadd.s32 s1, s30  }
0xba: {  	s0 =	sor.u32 s3, s0;
	s1 =	sshll.u32 s1, $0x11  }
0xbb: {  	s0 =	sor.u32 s1, s0  }
0xbc: {  	s0 =	sadd.s32 $0x8F2B, s0  }
0xbd: {  	[sflag:s0] =	ssyncadd.remote.s32 $0x1  }
0xbe: {  	_ =	sfence.sel $0xFFFF  }
0xbf: {  	[dreg:$0x0] =	wrdreg $0xFFFFFFFF;
	(pc) =	sbr.abs _section_cstart, $3  }
0xc0: {  	[dreg:$0x1] =	wrdreg $0xFFFFFFFF  }
0xc1: {  	_ =	task.clear_ibuf [dreg:s7], $0x2FFFF;
	_ =	strace $0x9FFFFFFF  }
0xc2: {  	(tm) =	ssettm $0x7FFFFFFF  }
0xc3: {  	_ =	shalt  }
tec
execute0_lowered:
.L_overlay_start_1:
0x0: {  	(tag) =	ssettag $0x1  }
0x1: {  	s3 =	rddreg [dreg:$0x0]  }
0x2: {  	s0 =	srdreg.scid;
	s5 =	rddreg [dreg:$0x1]  }
0x3: {  	s1 =	stileid.u32;
	s2 =	simm.s32 $0x0;
	s11 =	simm.s32 $0x1  }
0x4: {  	s12 =	simm.s32 $0x2880;
	s13 =	simm.s32 $0x80;
	s4 =	sand.u32 $0x1, s0  }
0x5: {  	s14 =	simm.s32 $0x400;
	s0 =	rddreg [dreg:$0x2];
	s6 =	sshll.u32 s4, $0x4  }
0x6: {  	s15 =	simm.s32 $0x0;
	[smem:$0x7FF] =	sst s2;
	s6 =	sor.u32 s1, s6  }
0x7: {  	s8 =	sshll.u32 s1, $0x7;
	s7 =	smul.u32 $0x1400, s6;
	s6 =	sshrl.u32 s6, $0x3  }
0x8: {  	_ =	strace $0x80000047;
	s4 =	ssub.s32 $0x2, s4;
	s6 =	smul.u32 $0x14400, s6  }
0x9: {  	s8 =	sand.u32 $0x380, s8;
	s30 =	sshrl.u32 s4, $0x1;
	s7 =	sshrl.u32 s7, $0x3  }
0xa: {  	s10 =	sadd.s32 s7, s3;
	s6 =	sor.u32 s8, s6;
	s3 =	sadd.s32 $0x5E00, s3  }
0xb: {  	s7 =	ssub.s32 s4, s30;
	s31 =	sshrl.u32 s6, $0x3;
	s6 =	sadd.s32 $0xE00, s10  }
0xc: {  	s8 =	sadd.s32 $0xF00, s10;
	s9 =	sadd.s32 $0xF80, s10;
	s4 =	sadd.s32 s5, s31  }
0xd: {  	v0 =	vimm.f32 $1.000000000e+00;
	s5 =	smax.u32 s7, $0x1;
	s7 =	sadd.s32 $0xE80, s10;
	s10 =	sadd.s32 $0x1000, s10  }
.LBB2_1:
0xe: {  	[tilespmem:s2], [sflag:$0x1] =	stream.linear.gather [hbm4b:s3+s2], $0x2880, $0x38;
	[tilespmem:$0x2C80] =	vst v63  }
0xf: {  	_ =	swait.ge [sflag:s11], $0x2880  }
0x10: {  	[sflag:s11] =	ssyncset.done $0x0  }
0x11: {  	[sflag:s11] =	ssyncadd.s32 $0xFFFFD780  }
0x12: {  	[tilespmem:s12], [sflag:$0x1] =	stream.linear.gather [hbm4b:s6+s2], $0x400, $0x38;
	[tilespmem:$0x2C80] =	vst v63  }
0x13: {  	_ =	swait.ge [sflag:s11], $0x400  }
0x14: {  	[sflag:s11] =	ssyncset.done $0x0  }
0x15: {  	s17 =	simm.s32 $0x0;
	s16 =	simm.s32 $0x40;
	[sflag:s11] =	ssyncadd.s32 $0xFFFFFC00  }
.LBB2_2:
0x16: {  	p0 =	sne.s32 s16, $0xFC0;
	v1 =	vld [tilespmem:s17+$0x2880];
	_ =	sdelay $0x3  }
.Ltmp0:
0x17: {  	(pc) =	sbr.rel @p0 .LBB2_2-.Ltmp0, $2  }
0x18: {  	_ =	sdelay $0x2  }
0x19: {  	s17 =	sshra.s32 s16, $0x2;
	s16 =	sadd.s32 $0x40, s16;
	[tilespmem:v1+s2+$0x0] =	vst.idx.add.f32.msk $0xffff, v0  }
0x1a: {  	v1 =	vld [tilespmem:s17+$0x2880];
	_ =	sdelay $0x7  }
0x1b: {  	s16 =	simm.s32 $0x0;
	[tilespmem:v1+s2+$0x0] =	vst.idx.add.f32.msk $0xffff, v0  }
0x1c: {  	[tilespmem:s12], [sflag:$0x1] =	stream.linear.gather [hbm4b:s7+s16], $0x400, $0x38;
	[tilespmem:$0x2C80] =	vst v63  }
0x1d: {  	_ =	swait.ge [sflag:s11], $0x400  }
0x1e: {  	[sflag:s11] =	ssyncset.done $0x0  }
0x1f: {  	s17 =	simm.s32 $0x0;
	s16 =	simm.s32 $0x40;
	[sflag:s11] =	ssyncadd.s32 $0xFFFFFC00  }
.LBB2_4:
0x20: {  	p0 =	sne.s32 s16, $0xFC0;
	v1 =	vld [tilespmem:s17+$0x2880];
	_ =	sdelay $0x3  }
.Ltmp1:
0x21: {  	(pc) =	sbr.rel @p0 .LBB2_4-.Ltmp1, $2  }
0x22: {  	_ =	sdelay $0x2  }
0x23: {  	s17 =	sshra.s32 s16, $0x2;
	s16 =	sadd.s32 $0x40, s16;
	[tilespmem:v1+s2+$0x0] =	vst.idx.add.f32.msk $0xffff, v0  }
0x24: {  	v1 =	vld [tilespmem:s17+$0x2880];
	_ =	sdelay $0x7  }
0x25: {  	s16 =	simm.s32 $0x0;
	[tilespmem:v1+s2+$0x0] =	vst.idx.add.f32.msk $0xffff, v0  }
0x26: {  	[tilespmem:s12], [sflag:$0x1] =	stream.linear.gather [hbm4b:s8+s16], $0x400, $0x38;
	[tilespmem:$0x2C80] =	vst v63  }
0x27: {  	_ =	swait.ge [sflag:s11], $0x400  }
0x28: {  	[sflag:s11] =	ssyncset.done $0x0  }
0x29: {  	s17 =	simm.s32 $0x0;
	s16 =	simm.s32 $0x40;
	[sflag:s11] =	ssyncadd.s32 $0xFFFFFC00  }
.LBB2_6:
0x2a: {  	p0 =	sne.s32 s16, $0xFC0;
	v1 =	vld [tilespmem:s17+$0x2880];
	_ =	sdelay $0x3  }
.Ltmp2:
0x2b: {  	(pc) =	sbr.rel @p0 .LBB2_6-.Ltmp2, $2  }
0x2c: {  	_ =	sdelay $0x2  }
0x2d: {  	s17 =	sshra.s32 s16, $0x2;
	s16 =	sadd.s32 $0x40, s16;
	[tilespmem:v1+s2+$0x0] =	vst.idx.add.f32.msk $0xffff, v0  }
0x2e: {  	v1 =	vld [tilespmem:s17+$0x2880];
	_ =	sdelay $0x7  }
0x2f: {  	s16 =	simm.s32 $0x0;
	[tilespmem:v1+s2+$0x0] =	vst.idx.add.f32.msk $0xffff, v0  }
0x30: {  	[tilespmem:s12], [sflag:$0x1] =	stream.linear.gather [hbm4b:s9+s16], $0x400, $0x38;
	[tilespmem:$0x2C80] =	vst v63  }
0x31: {  	_ =	swait.ge [sflag:s11], $0x400  }
0x32: {  	[sflag:s11] =	ssyncset.done $0x0  }
0x33: {  	s17 =	simm.s32 $0x0;
	s16 =	simm.s32 $0x40;
	[sflag:s11] =	ssyncadd.s32 $0xFFFFFC00  }
.LBB2_8:
0x34: {  	p0 =	sne.s32 s16, $0xFC0;
	v1 =	vld [tilespmem:s17+$0x2880];
	_ =	sdelay $0x3  }
.Ltmp3:
0x35: {  	(pc) =	sbr.rel @p0 .LBB2_8-.Ltmp3, $2  }
0x36: {  	_ =	sdelay $0x2  }
0x37: {  	s17 =	sshra.s32 s16, $0x2;
	s16 =	sadd.s32 $0x40, s16;
	[tilespmem:v1+s2+$0x0] =	vst.idx.add.f32.msk $0xffff, v0  }
0x38: {  	v1 =	vld [tilespmem:s17+$0x2880];
	_ =	sdelay $0x7  }
0x39: {  	s16 =	simm.s32 $0x0;
	[tilespmem:v1+s2+$0x0] =	vst.idx.add.f32.msk $0xffff, v0  }
0x3a: {  	[tilespmem:s12], [sflag:$0x1] =	stream.linear.gather [hbm4b:s10+s16], $0x400, $0x38;
	[tilespmem:$0x2C80] =	vst v63  }
0x3b: {  	_ =	swait.ge [sflag:s11], $0x400  }
0x3c: {  	[sflag:s11] =	ssyncset.done $0x0  }
0x3d: {  	s17 =	simm.s32 $0x0;
	s16 =	simm.s32 $0x40;
	[sflag:s11] =	ssyncadd.s32 $0xFFFFFC00  }
.LBB2_10:
0x3e: {  	p0 =	sne.s32 s16, $0xFC0;
	v1 =	vld [tilespmem:s17+$0x2880];
	_ =	sdelay $0x3  }
.Ltmp4:
0x3f: {  	(pc) =	sbr.rel @p0 .LBB2_10-.Ltmp4, $2  }
0x40: {  	_ =	sdelay $0x2  }
0x41: {  	s17 =	sshra.s32 s16, $0x2;
	s16 =	sadd.s32 $0x40, s16;
	[tilespmem:v1+s2+$0x0] =	vst.idx.add.f32.msk $0xffff, v0  }
0x42: {  	v1 =	vld [tilespmem:s17+$0x2880];
	_ =	sdelay $0x5  }
0x43: {  	s15 =	sadd.s32 $0x1, s15  }
0x44: {  	p0 =	sne.s32 s15, s5  }
.Ltmp5:
0x45: {  	[tilespmem:v1+s2+$0x0] =	vst.idx.add.f32.msk $0xffff, v0;
	(pc) =	sbr.rel @p0 .LBB2_1-.Ltmp5, $4  }
0x46: {  	[hbm4b:s4+s13] =	stream.strided.scatter [tilespmem:s2], [sflag:$0x1], $0x2880, s14, s13, $0x38;
	[tilespmem:$0x2C80] =	vst v63  }
0x47: {  	_ =	swait.ge [sflag:s11], $0x2880  }
0x48: {  	[sflag:s11] =	ssyncset.done $0x0  }
0x49: {  	[sflag:s11] =	ssyncadd.s32 $0xFFFFD780  }
0x4a: {  	_ =	sfence.sel $0x180000  }
0x4b: {  	[bflag:$0x0] =	sbarrier.arrive $0xFFFF  }
0x4c: {  	p0 =	sne.s32 s1, $0x0;
	_ =	strace $0x90000047  }
0x4d: {  	s0 =	sadd.s32 @!p0 $0x100000, s0;
	[bflag:$0x2] =	sbarrier.arrive $0xFFFF  }
0x4e: {  	[sflag:s0] =	ssyncadd.tile.s32 @!p0 $0x1;
	_ =	shalt  }
.Lfunc_end2:
_tile_overlayer_lowered:
.L_overlay_start_2:
0x4f: {  	(tag) =	ssettag $0x2  }
0x50: {  	s0 =	rddreg [dreg:$0x0];
	s2 =	stileid.u32  }
0x51: {  	s1 =	rddreg [dreg:$0x1];
	p0 =	sne.s32 s2, $0x0  }
0x52: {  	s3 =	rddreg [dreg:$0x2];
	[bflag:$0x3] =	sbarrier.arrive $0xFFFF;
	s2 =	simm.s32 @!p0 $0x1C01  }
0x53: {  	[timem:s3], [sflag:s2] =	dma.local @!p0 [hbm:s0], s1  }
0x54: {  	s0 =	simm.s32 @!p0 $0x1  }
0x55: {  	_ =	swait.ge @!p0 [sflag:s0], s1  }
0x56: {  	s1 =	ssub.s32 @!p0 $0x0, s1;
	[sflag:s0] =	ssyncset.done @!p0 $0x0  }
0x57: {  	[sflag:s0] =	ssyncadd.s32 @!p0 s1  }
0x58: {  	[bflag:$0x3] =	sbarrier.arrive $0xFFFF  }
0x59: {  	_ =	shalt  }

</sc_bundles>
